<compile_context>
chip_gen: v7x
topology: tpu7x:2x2x1
jax: 0.10.2.dev20260603
libtpu: 0.0.44.dev20260713+nightly
codegen_flags: <defaults>
</compile_context>

<pallas_src>
import functools

import jax
import jax.numpy as jnp
from jax.experimental import pallas as pl
from jax.experimental.pallas import tpu as pltpu
from jax.experimental.pallas import tpu_sc as plsc

N_TOK = 4096
NCOPY = 2 * N_TOK
D = 768
E = 64
EH = 256
SH = 512
TBLK = 512
N_TBLK = N_TOK // TBLK
CHUNK = 128
N_CHUNK = NCOPY // CHUNK
BLK = 256
N_BLK = NCOPY // BLK
G = N_BLK + E
TPAD = 128


def _silu(v):
    return v * jax.nn.sigmoid(v)


def _gate_body(x_ref, wg_ref, b_ref, e0_ref, e1_ref, w0_ref, w1_ref):
    x = x_ref[...].astype(jnp.bfloat16)
    logits = jax.lax.dot_general(
        x, wg_ref[...].astype(jnp.bfloat16), (((1,), (1,)), ((), ())),
        preferred_element_type=jnp.float32)
    scores = jax.nn.sigmoid(logits)
    b = scores + b_ref[...]
    iota = jax.lax.broadcasted_iota(jnp.int32, b.shape, 1)
    m1 = jnp.max(b, axis=1, keepdims=True)
    i1 = jnp.min(jnp.where(b == m1, iota, E), axis=1, keepdims=True)
    s1 = jnp.sum(jnp.where(iota == i1, scores, 0.0), axis=1, keepdims=True)
    b2 = jnp.where(iota == i1, -jnp.inf, b)
    m2 = jnp.max(b2, axis=1, keepdims=True)
    i2 = jnp.min(jnp.where(b2 == m2, iota, E), axis=1, keepdims=True)
    s2 = jnp.sum(jnp.where(iota == i2, scores, 0.0), axis=1, keepdims=True)
    tot = s1 + s2
    e0_ref[...] = i1
    e1_ref[...] = i2
    w0_ref[...] = s1 / tot
    w1_ref[...] = s2 / tot


def _gate(x, Wg, bias):
    return pl.pallas_call(
        _gate_body,
        grid=(N_TBLK,),
        in_specs=[
            pl.BlockSpec((TBLK, D), lambda i: (i, 0)),
            pl.BlockSpec((E, D), lambda i: (0, 0)),
            pl.BlockSpec((1, E), lambda i: (0, 0)),
        ],
        out_specs=[
            pl.BlockSpec((TBLK, 1), lambda i: (i, 0)),
            pl.BlockSpec((TBLK, 1), lambda i: (i, 0)),
            pl.BlockSpec((TBLK, 1), lambda i: (i, 0)),
            pl.BlockSpec((TBLK, 1), lambda i: (i, 0)),
        ],
        out_shape=[
            jax.ShapeDtypeStruct((N_TOK, 1), jnp.int32),
            jax.ShapeDtypeStruct((N_TOK, 1), jnp.int32),
            jax.ShapeDtypeStruct((N_TOK, 1), jnp.float32),
            jax.ShapeDtypeStruct((N_TOK, 1), jnp.float32),
        ],
    )(x, Wg, bias.reshape(1, E))


def _meta_body(eids_ref, pos_ref, te_ref, trb_ref, tlo_ref, thi_ref,
               counts_ref, running_ref):
    p = pl.program_id(0)
    c = pl.program_id(1)
    ej = eids_ref[...]
    iota_e = jax.lax.broadcasted_iota(jnp.int32, (CHUNK, E), 1)
    oh = (ej == iota_e).astype(jnp.float32)

    @pl.when((p == 0) & (c == 0))
    def _():
        counts_ref[...] = jnp.zeros_like(counts_ref)

    @pl.when(p == 0)
    def _():
        counts_ref[...] += jnp.sum(oh, axis=0, keepdims=True)

    @pl.when((p == 1) & (c == 0))
    def _():
        cnt = counts_ref[...]
        io_r = jax.lax.broadcasted_iota(jnp.int32, (E, E), 0)
        io_c = jax.lax.broadcasted_iota(jnp.int32, (E, E), 1)
        strict_lower = (io_r < io_c).astype(jnp.float32)
        offs = jax.lax.dot_general(
            cnt, strict_lower, (((1,), (0,)), ((), ())),
            precision=jax.lax.Precision.HIGHEST,
            preferred_element_type=jnp.float32)
        running_ref[...] = offs

        off_lo = offs
        off_hi = offs + cnt
        fb = jnp.floor(off_lo * (1.0 / BLK))
        lb = jnp.floor((off_hi - 1.0) * (1.0 / BLK))
        nb = jnp.where(cnt > 0, lb - fb + 1.0, 0.0)
        start = jax.lax.dot_general(
            nb, strict_lower, (((1,), (0,)), ((), ())),
            precision=jax.lax.Precision.HIGHEST,
            preferred_element_type=jnp.float32)
        end = start + nb
        total = jnp.sum(nb, axis=1, keepdims=True)

        g_col = jax.lax.broadcasted_iota(jnp.int32, (TPAD, 1), 0).astype(jnp.float32)
        g_mat = jax.lax.broadcasted_iota(jnp.int32, (TPAD, E), 0).astype(jnp.float32)
        te = jnp.sum((end <= g_mat).astype(jnp.float32), axis=1,
                     keepdims=True)
        te = jnp.minimum(te, float(E - 1))
        iota_te = jax.lax.broadcasted_iota(jnp.int32, (TPAD, E), 1).astype(jnp.float32)
        oh_t = (iota_te == te).astype(jnp.float32)
        sel = lambda v: jnp.sum(oh_t * v, axis=1, keepdims=True)
        trb = sel(fb) + (g_col - sel(start))
        t_lo = jnp.maximum(sel(off_lo), trb * BLK)
        t_hi = jnp.minimum(sel(off_hi), (trb + 1.0) * BLK)
        pad = g_col >= total
        te = jnp.where(pad, float(E - 1), te)
        trb = jnp.where(pad, float(N_BLK - 1), trb)
        t_lo = jnp.where(pad, 0.0, t_lo)
        t_hi = jnp.where(pad, 0.0, t_hi)
        te_ref[...] = te.astype(jnp.int32)
        trb_ref[...] = trb.astype(jnp.int32)
        tlo_ref[...] = t_lo.astype(jnp.int32)
        thi_ref[...] = t_hi.astype(jnp.int32)

    @pl.when(p == 1)
    def _():
        io_r = jax.lax.broadcasted_iota(jnp.int32, (CHUNK, CHUNK), 0)
        io_c = jax.lax.broadcasted_iota(jnp.int32, (CHUNK, CHUNK), 1)
        tri = (io_c < io_r).astype(jnp.float32)
        within = jax.lax.dot_general(
            tri, oh, (((1,), (0,)), ((), ())),
            precision=jax.lax.Precision.HIGHEST,
            preferred_element_type=jnp.float32)
        base = running_ref[...]
        posv = (jnp.sum(oh * within, axis=1, keepdims=True)
                + jnp.sum(oh * base, axis=1, keepdims=True))
        pos_ref[...] = posv.astype(jnp.int32)
        running_ref[...] = base + jnp.sum(oh, axis=0, keepdims=True)


def _meta(eids):
    return pl.pallas_call(
        _meta_body,
        grid=(2, N_CHUNK),
        in_specs=[pl.BlockSpec((CHUNK, 1), lambda p, c: (c, 0))],
        out_specs=[
            pl.BlockSpec((CHUNK, 1), lambda p, c: (p * c, 0)),
            pl.BlockSpec((TPAD, 1), lambda p, c: (0, 0)),
            pl.BlockSpec((TPAD, 1), lambda p, c: (0, 0)),
            pl.BlockSpec((TPAD, 1), lambda p, c: (0, 0)),
            pl.BlockSpec((TPAD, 1), lambda p, c: (0, 0)),
        ],
        out_shape=[
            jax.ShapeDtypeStruct((NCOPY, 1), jnp.int32),
            jax.ShapeDtypeStruct((TPAD, 1), jnp.int32),
            jax.ShapeDtypeStruct((TPAD, 1), jnp.int32),
            jax.ShapeDtypeStruct((TPAD, 1), jnp.int32),
            jax.ShapeDtypeStruct((TPAD, 1), jnp.int32),
        ],
        scratch_shapes=[
            pltpu.VMEM((1, E), jnp.float32),
            pltpu.VMEM((1, E), jnp.float32),
        ],
    )(eids)


SC_NW = 32
SC_B = N_TOK // SC_NW


def _sc_worker_id():
    return jax.lax.axis_index("s") * 2 + jax.lax.axis_index("c")


def _sc_scatter(x, pe, po):
    mesh = plsc.VectorSubcoreMesh(core_axis_name="c", subcore_axis_name="s")

    @functools.partial(
        pl.kernel, mesh=mesh,
        out_type=jax.ShapeDtypeStruct((NCOPY, D), jnp.float32),
        scratch_types=[
            pltpu.VMEM((SC_B,), jnp.int32),
            pltpu.VMEM((SC_B,), jnp.int32),
            pltpu.VMEM((SC_B, D), jnp.float32),
            pltpu.SemaphoreType.DMA,
        ],
    )
    def k(x_hbm, pe_hbm, po_hbm, o_hbm, pe_v, po_v, rows_v, sem):
        base = _sc_worker_id() * SC_B
        pltpu.sync_copy(x_hbm.at[pl.ds(base, SC_B)], rows_v)
        pltpu.sync_copy(pe_hbm.at[pl.ds(base, SC_B)], pe_v)
        pltpu.sync_copy(po_hbm.at[pl.ds(base, SC_B)], po_v)
        pltpu.async_copy(rows_v, o_hbm.at[pe_v], sem).wait()
        pltpu.async_copy(rows_v, o_hbm.at[po_v], sem).wait()

    return k(x, pe, po)


def _sc_gather(out_s, pe, po):
    mesh = plsc.VectorSubcoreMesh(core_axis_name="c", subcore_axis_name="s")

    @functools.partial(
        pl.kernel, mesh=mesh,
        out_type=[jax.ShapeDtypeStruct((N_TOK, D), jnp.float32),
                  jax.ShapeDtypeStruct((N_TOK, D), jnp.float32)],
        scratch_types=[
            pltpu.VMEM((SC_B,), jnp.int32),
            pltpu.VMEM((SC_B, D), jnp.float32),
            pltpu.SemaphoreType.DMA,
        ],
    )
    def k(os_hbm, pe_hbm, po_hbm, g1_hbm, g2_hbm, idx_v, rows_v, sem):
        base = _sc_worker_id() * SC_B
        pltpu.sync_copy(pe_hbm.at[pl.ds(base, SC_B)], idx_v)
        pltpu.async_copy(os_hbm.at[idx_v], rows_v, sem).wait()
        pltpu.sync_copy(rows_v, g1_hbm.at[pl.ds(base, SC_B)])
        pltpu.sync_copy(po_hbm.at[pl.ds(base, SC_B)], idx_v)
        pltpu.async_copy(os_hbm.at[idx_v], rows_v, sem).wait()
        pltpu.sync_copy(rows_v, g2_hbm.at[pl.ds(base, SC_B)])

    return k(out_s, pe, po)


def _gmm_body(te_ref, trb_ref, tlo_ref, thi_ref, xs_ref, wu_ref, wd_ref,
              out_ref):
    g = pl.program_id(0)
    rb = trb_ref[g]
    lo = tlo_ref[g]
    hi = thi_ref[g]
    prev_rb = trb_ref[jnp.maximum(g - 1, 0)]
    first = (g == 0) | (rb != prev_rb)
    rows = rb * BLK + jax.lax.broadcasted_iota(jnp.int32, (BLK, 1), 0)
    mask = ((rows >= lo) & (rows < hi)).astype(jnp.float32)
    xb = xs_ref[...].astype(jnp.bfloat16)
    wu = wu_ref[0].astype(jnp.bfloat16)
    wd = wd_ref[0].astype(jnp.bfloat16)
    up = jax.lax.dot_general(xb, wu, (((1,), (1,)), ((), ())),
                             preferred_element_type=jnp.float32)
    h = _silu(up[:, EH:]) * up[:, :EH] * mask
    dn = jax.lax.dot_general(h.astype(jnp.bfloat16), wd,
                             (((1,), (1,)), ((), ())),
                             preferred_element_type=jnp.float32)

    @pl.when(first)
    def _():
        out_ref[...] = dn

    @pl.when(jnp.logical_not(first))
    def _():
        out_ref[...] += dn


def _gmm(tile_e, tile_rb, tile_lo, tile_hi, x_s, W_up, W_down):
    grid_spec = pltpu.PrefetchScalarGridSpec(
        num_scalar_prefetch=4,
        grid=(G,),
        in_specs=[
            pl.BlockSpec((BLK, D), lambda g, te, trb, tlo, thi: (trb[g], 0)),
            pl.BlockSpec((1, 2 * EH, D),
                         lambda g, te, trb, tlo, thi: (te[g], 0, 0)),
            pl.BlockSpec((1, D, EH),
                         lambda g, te, trb, tlo, thi: (te[g], 0, 0)),
        ],
        out_specs=pl.BlockSpec((BLK, D),
                               lambda g, te, trb, tlo, thi: (trb[g], 0)),
    )
    return pl.pallas_call(
        _gmm_body,
        grid_spec=grid_spec,
        out_shape=jax.ShapeDtypeStruct((NCOPY, D), jnp.float32),
    )(tile_e, tile_rb, tile_lo, tile_hi, x_s, W_up, W_down)


def _final_body(x_ref, g1_ref, g2_ref, w0_ref, w1_ref, wu_ref, wd_ref,
                out_ref):
    xb = x_ref[...].astype(jnp.bfloat16)
    wu = wu_ref[...].astype(jnp.bfloat16)
    wd = wd_ref[...].astype(jnp.bfloat16)
    up = jax.lax.dot_general(xb, wu, (((1,), (1,)), ((), ())),
                             preferred_element_type=jnp.float32)
    h = _silu(up[:, SH:]) * up[:, :SH]
    sh = jax.lax.dot_general(h.astype(jnp.bfloat16), wd,
                             (((1,), (1,)), ((), ())),
                             preferred_element_type=jnp.float32)
    out_ref[...] = sh + w0_ref[...] * g1_ref[...] + w1_ref[...] * g2_ref[...]


def _final(x, g1, g2, w0, w1, Wsh_up, Wsh_down):
    return pl.pallas_call(
        _final_body,
        grid=(N_TBLK,),
        in_specs=[
            pl.BlockSpec((TBLK, D), lambda i: (i, 0)),
            pl.BlockSpec((TBLK, D), lambda i: (i, 0)),
            pl.BlockSpec((TBLK, D), lambda i: (i, 0)),
            pl.BlockSpec((TBLK, 1), lambda i: (i, 0)),
            pl.BlockSpec((TBLK, 1), lambda i: (i, 0)),
            pl.BlockSpec((2 * SH, D), lambda i: (0, 0)),
            pl.BlockSpec((D, SH), lambda i: (0, 0)),
        ],
        out_specs=pl.BlockSpec((TBLK, D), lambda i: (i, 0)),
        out_shape=jax.ShapeDtypeStruct((N_TOK, D), jnp.float32),
    )(x, g1, g2, w0, w1, Wsh_up, Wsh_down)


def kernel(x, Wg, bias, Wsh_up, Wsh_down, W_up, W_down):
    e0, e1, w0, w1 = _gate(x, Wg, bias)
    eids = jnp.concatenate([e0, e1], axis=1).reshape(NCOPY, 1)
    pos, tile_e, tile_rb, tile_lo, tile_hi = _meta(eids)
    posr = pos.reshape(N_TOK, 2)
    pe = posr[:, 0]
    po = posr[:, 1]
    x_s = _sc_scatter(x, pe, po)
    out_s = _gmm(tile_e.reshape(TPAD), tile_rb.reshape(TPAD),
                 tile_lo.reshape(TPAD), tile_hi.reshape(TPAD),
                 x_s, W_up, W_down)
    g1, g2 = _sc_gather(out_s, pe, po)
    return _final(x, g1, g2, w0, w1, Wsh_up, Wsh_down)

# --- scband reference (transcript-rebuilt; emitter-appended) ---
"""Pipeline reference for scband-gpt-20298015441102 (READ-ONLY COPY).

The authoritative reference and input builder live on the scoring server;
editing this copy changes nothing except your own understanding.
"""

import jax, jax.numpy as jnp
import numpy as np

N_TOKENS = 4096
D_MODEL = 768
N_EXPERTS = 64
TOPK = 2
EXPERT_H = 256
SHARED_H = 512  # ceil(2*256/256)*256
ROUTE_SCALE = 1.0


def silu(v):
    return v * jax.nn.sigmoid(v)


def setup_inputs(seed: int = 0) -> dict:
    key = jax.random.key(seed)
    ks = jax.random.split(key, 8)
    x = jax.random.normal(ks[0], (N_TOKENS, D_MODEL), dtype=jnp.float32)
    Wg = jax.random.normal(ks[1], (N_EXPERTS, D_MODEL), dtype=jnp.float32) * 0.02
    bias = jnp.zeros((N_EXPERTS,), dtype=jnp.float32)
    Wsh_up = jax.random.normal(ks[2], (SHARED_H * 2, D_MODEL), dtype=jnp.float32) * 0.02
    Wsh_down = jax.random.normal(ks[3], (D_MODEL, SHARED_H), dtype=jnp.float32) * 0.02
    W_up = jax.random.normal(ks[4], (N_EXPERTS, EXPERT_H * 2, D_MODEL), dtype=jnp.float32) * 0.02
    W_down = jax.random.normal(ks[5], (N_EXPERTS, D_MODEL, EXPERT_H), dtype=jnp.float32) * 0.02
    return {"x": x, "Wg": Wg, "bias": bias, "Wsh_up": Wsh_up, "Wsh_down": Wsh_down, "W_up": W_up, "W_down": W_down}


def reference(x, Wg, bias, Wsh_up, Wsh_down, W_up, W_down):
    N = x.shape[0]
    # Gate: sigmoid scores, top-k with (detached) load-balancing bias added for selection only
    logits = x @ Wg.T
    scores = jax.nn.sigmoid(logits)
    _, topk_idx = jax.lax.top_k(scores + bias[None, :], TOPK)
    weights = jnp.take_along_axis(scores, topk_idx, axis=-1)
    weights = weights / weights.sum(-1, keepdims=True) * ROUTE_SCALE

    # Route tokens: sort token copies by assigned expert (stable, matches torch argsort stable)
    expert_ids = topk_idx.reshape(-1)
    token_ids = jnp.repeat(jnp.arange(N), TOPK)
    flat_weights = weights.reshape(-1)
    order = jnp.argsort(expert_ids, stable=True)
    token_ids_s = token_ids[order]
    flat_weights_s = flat_weights[order]
    expert_ids_s = expert_ids[order]
    x_permuted = x[token_ids_s]

    # Fallback expert loop with exact one-hot masking (SwiGLU experts)
    out_permuted = jnp.zeros_like(x_permuted)
    for e in range(N_EXPERTS):
        up = x_permuted @ W_up[e].T
        y = up[:, :EXPERT_H]
        g = up[:, EXPERT_H:]
        out_e = (silu(g) * y) @ W_down[e].T
        mask = (expert_ids_s == e)[:, None].astype(x.dtype)
        out_permuted = out_permuted + out_e * mask
    out_weighted = out_permuted * flat_weights_s[:, None]

    # Scatter-add back to original token positions
    routed = jnp.zeros_like(x).at[token_ids_s].add(out_weighted)

    # Always-active shared expert (SwiGLU, fused hidden rounded to 256)
    sh = x @ Wsh_up.T
    ys = sh[:, :SHARED_H]
    gs = sh[:, SHARED_H:]
    shared = (silu(gs) * ys) @ Wsh_down.T

    return routed + shared

if __name__ == "__main__":
    import jax
    _d = setup_inputs()
    print(jax.jit(kernel)(*tuple(_d.values())))

</pallas_src>

<mosaic_0001>
#map = affine_map<(d0, d1) -> (0, 0)>
#map1 = affine_map<(d0, d1) -> (0)>
module attributes {stable_mosaic.version = 14 : i64} {
  func.func @k(%arg0: i32, %arg1: i32, %arg2: memref<8192x768xf32, #tpu.memory_space<hbm>>, %arg3: memref<4096xi32, #tpu.memory_space<hbm>>, %arg4: memref<4096xi32, #tpu.memory_space<hbm>>, %arg5: memref<4096x768xf32, #tpu.memory_space<hbm>>, %arg6: memref<4096x768xf32, #tpu.memory_space<hbm>>, %arg7: memref<128xi32, #tpu.memory_space<vmem>>, %arg8: memref<128x768xf32, #tpu.memory_space<vmem>>, %arg9: memref<!tpu.dma_semaphore, #tpu.memory_space<semaphore_mem>>) attributes {dimension_semantics = [#tpu.dimension_semantics<core_parallel>, #tpu.dimension_semantics<subcore_parallel>], iteration_bounds = array<i64: 2, 16>, scalar_prefetch = 0 : i64, scratch_operands = 3 : i64, tpu.core_type = #tpu.core_type<sc_vector_subcore>, window_params = [{transform_indices = #map}, {transform_indices = #map1}, {transform_indices = #map1}, {transform_indices = #map}, {transform_indices = #map}]} {
    %mul3A = arith.constant 2 : i32
    %mul3A_0 = arith.muli %arg1, %mul3A : i32
    %add3A = arith.addi %mul3A_0, %arg0 : i32
    %mul3A_1 = arith.constant 128 : i32
    %mul3A_2 = arith.muli %add3A, %mul3A_1 : i32
    "tpu.region"() ({
      %run_scoped3A = tpu.sem_alloc : memref<!tpu.dma_semaphore, #tpu.memory_space<semaphore_mem>>
      %dma_start3A_13 = tpu.memref_slice %arg3[%mul3A_2] : memref<4096xi32, #tpu.memory_space<hbm>> -> memref<128xi32, #tpu.memory_space<hbm>>
      %dma_start3A_14 = tpu.memref_slice %arg3[%mul3A_2] : memref<4096xi32, #tpu.memory_space<hbm>> -> memref<128xi32, #tpu.memory_space<hbm>>
      tpu.enqueue_dma source(%dma_start3A_14 : memref<128xi32, #tpu.memory_space<hbm>>) target(%arg7 : memref<128xi32, #tpu.memory_space<vmem>>) target_semaphore(%run_scoped3A : memref<!tpu.dma_semaphore, #tpu.memory_space<semaphore_mem>>)
      %dma_wait3A_15 = tpu.memref_slice %arg3[%mul3A_2] : memref<4096xi32, #tpu.memory_space<hbm>> -> memref<128xi32, #tpu.memory_space<hbm>>
      %dma_wait3A_16 = tpu.memref_slice %arg3[%mul3A_2] : memref<4096xi32, #tpu.memory_space<hbm>> -> memref<128xi32, #tpu.memory_space<hbm>>
      tpu.wait_dma2 semaphore(%run_scoped3A : memref<!tpu.dma_semaphore, #tpu.memory_space<semaphore_mem>>) src(%dma_wait3A_16 : memref<128xi32, #tpu.memory_space<hbm>>) dst(%arg7 : memref<128xi32, #tpu.memory_space<vmem>>)
      tpu.yield
    }) : () -> ()
    %dma_start3A = arith.constant 0 : i32
    %dma_start3A_3 = arith.constant 0 : i32
    %dma_start3A_4 = tpu.memref_slice %arg2[%dma_start3A, %dma_start3A_3] : memref<8192x768xf32, #tpu.memory_space<hbm>> -> memref<8192x768xf32, #tpu.memory_space<hbm>>
    tpu.enqueue_indirect_dma source(%dma_start3A_4 : memref<8192x768xf32, #tpu.memory_space<hbm>>) target(%arg8 : memref<128x768xf32, #tpu.memory_space<vmem>>) offsets(%arg7 : memref<128xi32, #tpu.memory_space<vmem>>) semaphore(%arg9 : memref<!tpu.dma_semaphore, #tpu.memory_space<semaphore_mem>>)
    %dma_wait3A = arith.constant 0 : i32
    %dma_wait3A_5 = arith.constant 0 : i32
    %dma_wait3A_6 = tpu.memref_slice %arg2[%dma_wait3A, %dma_wait3A_5] : memref<8192x768xf32, #tpu.memory_space<hbm>> -> memref<8192x768xf32, #tpu.memory_space<hbm>>
    tpu.wait_indirect_dma semaphore(%arg9 : memref<!tpu.dma_semaphore, #tpu.memory_space<semaphore_mem>>) src(%dma_wait3A_6 : memref<8192x768xf32, #tpu.memory_space<hbm>>) dst(%arg8 : memref<128x768xf32, #tpu.memory_space<vmem>>)
    "tpu.region"() ({
      %run_scoped3A = tpu.sem_alloc : memref<!tpu.dma_semaphore, #tpu.memory_space<semaphore_mem>>
      %dma_start3A_13 = arith.constant 0 : i32
      %dma_start3A_14 = tpu.memref_slice %arg5[%mul3A_2, %dma_start3A_13] : memref<4096x768xf32, #tpu.memory_space<hbm>> -> memref<128x768xf32, #tpu.memory_space<hbm>>
      %dma_start3A_15 = arith.constant 0 : i32
      %dma_start3A_16 = tpu.memref_slice %arg5[%mul3A_2, %dma_start3A_15] : memref<4096x768xf32, #tpu.memory_space<hbm>> -> memref<128x768xf32, #tpu.memory_space<hbm>>
      tpu.enqueue_dma source(%arg8 : memref<128x768xf32, #tpu.memory_space<vmem>>) target(%dma_start3A_16 : memref<128x768xf32, #tpu.memory_space<hbm>>) target_semaphore(%run_scoped3A : memref<!tpu.dma_semaphore, #tpu.memory_space<semaphore_mem>>)
      %dma_wait3A_17 = arith.constant 0 : i32
      %dma_wait3A_18 = tpu.memref_slice %arg5[%mul3A_2, %dma_wait3A_17] : memref<4096x768xf32, #tpu.memory_space<hbm>> -> memref<128x768xf32, #tpu.memory_space<hbm>>
      %dma_wait3A_19 = arith.constant 0 : i32
      %dma_wait3A_20 = tpu.memref_slice %arg5[%mul3A_2, %dma_wait3A_19] : memref<4096x768xf32, #tpu.memory_space<hbm>> -> memref<128x768xf32, #tpu.memory_space<hbm>>
      tpu.wait_dma2 semaphore(%run_scoped3A : memref<!tpu.dma_semaphore, #tpu.memory_space<semaphore_mem>>) src(%arg8 : memref<128x768xf32, #tpu.memory_space<vmem>>) dst(%dma_wait3A_20 : memref<128x768xf32, #tpu.memory_space<hbm>>)
      tpu.yield
    }) : () -> ()
    "tpu.region"() ({
      %run_scoped3A = tpu.sem_alloc : memref<!tpu.dma_semaphore, #tpu.memory_space<semaphore_mem>>
      %dma_start3A_13 = tpu.memref_slice %arg4[%mul3A_2] : memref<4096xi32, #tpu.memory_space<hbm>> -> memref<128xi32, #tpu.memory_space<hbm>>
      %dma_start3A_14 = tpu.memref_slice %arg4[%mul3A_2] : memref<4096xi32, #tpu.memory_space<hbm>> -> memref<128xi32, #tpu.memory_space<hbm>>
      tpu.enqueue_dma source(%dma_start3A_14 : memref<128xi32, #tpu.memory_space<hbm>>) target(%arg7 : memref<128xi32, #tpu.memory_space<vmem>>) target_semaphore(%run_scoped3A : memref<!tpu.dma_semaphore, #tpu.memory_space<semaphore_mem>>)
      %dma_wait3A_15 = tpu.memref_slice %arg4[%mul3A_2] : memref<4096xi32, #tpu.memory_space<hbm>> -> memref<128xi32, #tpu.memory_space<hbm>>
      %dma_wait3A_16 = tpu.memref_slice %arg4[%mul3A_2] : memref<4096xi32, #tpu.memory_space<hbm>> -> memref<128xi32, #tpu.memory_space<hbm>>
      tpu.wait_dma2 semaphore(%run_scoped3A : memref<!tpu.dma_semaphore, #tpu.memory_space<semaphore_mem>>) src(%dma_wait3A_16 : memref<128xi32, #tpu.memory_space<hbm>>) dst(%arg7 : memref<128xi32, #tpu.memory_space<vmem>>)
      tpu.yield
    }) : () -> ()
    %dma_start3A_7 = arith.constant 0 : i32
    %dma_start3A_8 = arith.constant 0 : i32
    %dma_start3A_9 = tpu.memref_slice %arg2[%dma_start3A_7, %dma_start3A_8] : memref<8192x768xf32, #tpu.memory_space<hbm>> -> memref<8192x768xf32, #tpu.memory_space<hbm>>
    tpu.enqueue_indirect_dma source(%dma_start3A_9 : memref<8192x768xf32, #tpu.memory_space<hbm>>) target(%arg8 : memref<128x768xf32, #tpu.memory_space<vmem>>) offsets(%arg7 : memref<128xi32, #tpu.memory_space<vmem>>) semaphore(%arg9 : memref<!tpu.dma_semaphore, #tpu.memory_space<semaphore_mem>>)
    %dma_wait3A_10 = arith.constant 0 : i32
    %dma_wait3A_11 = arith.constant 0 : i32
    %dma_wait3A_12 = tpu.memref_slice %arg2[%dma_wait3A_10, %dma_wait3A_11] : memref<8192x768xf32, #tpu.memory_space<hbm>> -> memref<8192x768xf32, #tpu.memory_space<hbm>>
    tpu.wait_indirect_dma semaphore(%arg9 : memref<!tpu.dma_semaphore, #tpu.memory_space<semaphore_mem>>) src(%dma_wait3A_12 : memref<8192x768xf32, #tpu.memory_space<hbm>>) dst(%arg8 : memref<128x768xf32, #tpu.memory_space<vmem>>)
    "tpu.region"() ({
      %run_scoped3A = tpu.sem_alloc : memref<!tpu.dma_semaphore, #tpu.memory_space<semaphore_mem>>
      %dma_start3A_13 = arith.constant 0 : i32
      %dma_start3A_14 = tpu.memref_slice %arg6[%mul3A_2, %dma_start3A_13] : memref<4096x768xf32, #tpu.memory_space<hbm>> -> memref<128x768xf32, #tpu.memory_space<hbm>>
      %dma_start3A_15 = arith.constant 0 : i32
      %dma_start3A_16 = tpu.memref_slice %arg6[%mul3A_2, %dma_start3A_15] : memref<4096x768xf32, #tpu.memory_space<hbm>> -> memref<128x768xf32, #tpu.memory_space<hbm>>
      tpu.enqueue_dma source(%arg8 : memref<128x768xf32, #tpu.memory_space<vmem>>) target(%dma_start3A_16 : memref<128x768xf32, #tpu.memory_space<hbm>>) target_semaphore(%run_scoped3A : memref<!tpu.dma_semaphore, #tpu.memory_space<semaphore_mem>>)
      %dma_wait3A_17 = arith.constant 0 : i32
      %dma_wait3A_18 = tpu.memref_slice %arg6[%mul3A_2, %dma_wait3A_17] : memref<4096x768xf32, #tpu.memory_space<hbm>> -> memref<128x768xf32, #tpu.memory_space<hbm>>
      %dma_wait3A_19 = arith.constant 0 : i32
      %dma_wait3A_20 = tpu.memref_slice %arg6[%mul3A_2, %dma_wait3A_19] : memref<4096x768xf32, #tpu.memory_space<hbm>> -> memref<128x768xf32, #tpu.memory_space<hbm>>
      tpu.wait_dma2 semaphore(%run_scoped3A : memref<!tpu.dma_semaphore, #tpu.memory_space<semaphore_mem>>) src(%arg8 : memref<128x768xf32, #tpu.memory_space<vmem>>) dst(%dma_wait3A_20 : memref<128x768xf32, #tpu.memory_space<hbm>>)
      tpu.yield
    }) : () -> ()
    return
  }
}

#map = affine_map<(d0, d1) -> (0, 0)>
#map1 = affine_map<(d0, d1) -> (0)>
module attributes {stable_mosaic.version = 14 : i64} {
  func.func @k(%arg0: i32, %arg1: i32, %arg2: memref<4096x768xf32, #tpu.memory_space<hbm>>, %arg3: memref<4096xi32, #tpu.memory_space<hbm>>, %arg4: memref<4096xi32, #tpu.memory_space<hbm>>, %arg5: memref<8192x768xf32, #tpu.memory_space<hbm>>, %arg6: memref<128xi32, #tpu.memory_space<vmem>>, %arg7: memref<128xi32, #tpu.memory_space<vmem>>, %arg8: memref<128x768xf32, #tpu.memory_space<vmem>>, %arg9: memref<!tpu.dma_semaphore, #tpu.memory_space<semaphore_mem>>) attributes {dimension_semantics = [#tpu.dimension_semantics<core_parallel>, #tpu.dimension_semantics<subcore_parallel>], iteration_bounds = array<i64: 2, 16>, scalar_prefetch = 0 : i64, scratch_operands = 4 : i64, tpu.core_type = #tpu.core_type<sc_vector_subcore>, window_params = [{transform_indices = #map}, {transform_indices = #map1}, {transform_indices = #map1}, {transform_indices = #map}]} {
    %mul3A = arith.constant 2 : i32
    %mul3A_0 = arith.muli %arg1, %mul3A : i32
    %add3A = arith.addi %mul3A_0, %arg0 : i32
    %mul3A_1 = arith.constant 128 : i32
    %mul3A_2 = arith.muli %add3A, %mul3A_1 : i32
    "tpu.region"() ({
      %run_scoped3A = tpu.sem_alloc : memref<!tpu.dma_semaphore, #tpu.memory_space<semaphore_mem>>
      %dma_start3A_13 = arith.constant 0 : i32
      %dma_start3A_14 = tpu.memref_slice %arg2[%mul3A_2, %dma_start3A_13] : memref<4096x768xf32, #tpu.memory_space<hbm>> -> memref<128x768xf32, #tpu.memory_space<hbm>>
      %dma_start3A_15 = arith.constant 0 : i32
      %dma_start3A_16 = tpu.memref_slice %arg2[%mul3A_2, %dma_start3A_15] : memref<4096x768xf32, #tpu.memory_space<hbm>> -> memref<128x768xf32, #tpu.memory_space<hbm>>
      tpu.enqueue_dma source(%dma_start3A_16 : memref<128x768xf32, #tpu.memory_space<hbm>>) target(%arg8 : memref<128x768xf32, #tpu.memory_space<vmem>>) target_semaphore(%run_scoped3A : memref<!tpu.dma_semaphore, #tpu.memory_space<semaphore_mem>>)
      %dma_wait3A_17 = arith.constant 0 : i32
      %dma_wait3A_18 = tpu.memref_slice %arg2[%mul3A_2, %dma_wait3A_17] : memref<4096x768xf32, #tpu.memory_space<hbm>> -> memref<128x768xf32, #tpu.memory_space<hbm>>
      %dma_wait3A_19 = arith.constant 0 : i32
      %dma_wait3A_20 = tpu.memref_slice %arg2[%mul3A_2, %dma_wait3A_19] : memref<4096x768xf32, #tpu.memory_space<hbm>> -> memref<128x768xf32, #tpu.memory_space<hbm>>
      tpu.wait_dma2 semaphore(%run_scoped3A : memref<!tpu.dma_semaphore, #tpu.memory_space<semaphore_mem>>) src(%dma_wait3A_20 : memref<128x768xf32, #tpu.memory_space<hbm>>) dst(%arg8 : memref<128x768xf32, #tpu.memory_space<vmem>>)
      tpu.yield
    }) : () -> ()
    "tpu.region"() ({
      %run_scoped3A = tpu.sem_alloc : memref<!tpu.dma_semaphore, #tpu.memory_space<semaphore_mem>>
      %dma_start3A_13 = tpu.memref_slice %arg3[%mul3A_2] : memref<4096xi32, #tpu.memory_space<hbm>> -> memref<128xi32, #tpu.memory_space<hbm>>
      %dma_start3A_14 = tpu.memref_slice %arg3[%mul3A_2] : memref<4096xi32, #tpu.memory_space<hbm>> -> memref<128xi32, #tpu.memory_space<hbm>>
      tpu.enqueue_dma source(%dma_start3A_14 : memref<128xi32, #tpu.memory_space<hbm>>) target(%arg6 : memref<128xi32, #tpu.memory_space<vmem>>) target_semaphore(%run_scoped3A : memref<!tpu.dma_semaphore, #tpu.memory_space<semaphore_mem>>)
      %dma_wait3A_15 = tpu.memref_slice %arg3[%mul3A_2] : memref<4096xi32, #tpu.memory_space<hbm>> -> memref<128xi32, #tpu.memory_space<hbm>>
      %dma_wait3A_16 = tpu.memref_slice %arg3[%mul3A_2] : memref<4096xi32, #tpu.memory_space<hbm>> -> memref<128xi32, #tpu.memory_space<hbm>>
      tpu.wait_dma2 semaphore(%run_scoped3A : memref<!tpu.dma_semaphore, #tpu.memory_space<semaphore_mem>>) src(%dma_wait3A_16 : memref<128xi32, #tpu.memory_space<hbm>>) dst(%arg6 : memref<128xi32, #tpu.memory_space<vmem>>)
      tpu.yield
    }) : () -> ()
    "tpu.region"() ({
      %run_scoped3A = tpu.sem_alloc : memref<!tpu.dma_semaphore, #tpu.memory_space<semaphore_mem>>
      %dma_start3A_13 = tpu.memref_slice %arg4[%mul3A_2] : memref<4096xi32, #tpu.memory_space<hbm>> -> memref<128xi32, #tpu.memory_space<hbm>>
      %dma_start3A_14 = tpu.memref_slice %arg4[%mul3A_2] : memref<4096xi32, #tpu.memory_space<hbm>> -> memref<128xi32, #tpu.memory_space<hbm>>
      tpu.enqueue_dma source(%dma_start3A_14 : memref<128xi32, #tpu.memory_space<hbm>>) target(%arg7 : memref<128xi32, #tpu.memory_space<vmem>>) target_semaphore(%run_scoped3A : memref<!tpu.dma_semaphore, #tpu.memory_space<semaphore_mem>>)
      %dma_wait3A_15 = tpu.memref_slice %arg4[%mul3A_2] : memref<4096xi32, #tpu.memory_space<hbm>> -> memref<128xi32, #tpu.memory_space<hbm>>
      %dma_wait3A_16 = tpu.memref_slice %arg4[%mul3A_2] : memref<4096xi32, #tpu.memory_space<hbm>> -> memref<128xi32, #tpu.memory_space<hbm>>
      tpu.wait_dma2 semaphore(%run_scoped3A : memref<!tpu.dma_semaphore, #tpu.memory_space<semaphore_mem>>) src(%dma_wait3A_16 : memref<128xi32, #tpu.memory_space<hbm>>) dst(%arg7 : memref<128xi32, #tpu.memory_space<vmem>>)
      tpu.yield
    }) : () -> ()
    %dma_start3A = arith.constant 0 : i32
    %dma_start3A_3 = arith.constant 0 : i32
    %dma_start3A_4 = tpu.memref_slice %arg5[%dma_start3A, %dma_start3A_3] : memref<8192x768xf32, #tpu.memory_space<hbm>> -> memref<8192x768xf32, #tpu.memory_space<hbm>>
    tpu.enqueue_indirect_dma source(%arg8 : memref<128x768xf32, #tpu.memory_space<vmem>>) target(%dma_start3A_4 : memref<8192x768xf32, #tpu.memory_space<hbm>>) offsets(%arg6 : memref<128xi32, #tpu.memory_space<vmem>>) semaphore(%arg9 : memref<!tpu.dma_semaphore, #tpu.memory_space<semaphore_mem>>)
    %dma_wait3A = arith.constant 0 : i32
    %dma_wait3A_5 = arith.constant 0 : i32
    %dma_wait3A_6 = tpu.memref_slice %arg5[%dma_wait3A, %dma_wait3A_5] : memref<8192x768xf32, #tpu.memory_space<hbm>> -> memref<8192x768xf32, #tpu.memory_space<hbm>>
    tpu.wait_indirect_dma semaphore(%arg9 : memref<!tpu.dma_semaphore, #tpu.memory_space<semaphore_mem>>) src(%arg8 : memref<128x768xf32, #tpu.memory_space<vmem>>) dst(%dma_wait3A_6 : memref<8192x768xf32, #tpu.memory_space<hbm>>)
    %dma_start3A_7 = arith.constant 0 : i32
    %dma_start3A_8 = arith.constant 0 : i32
    %dma_start3A_9 = tpu.memref_slice %arg5[%dma_start3A_7, %dma_start3A_8] : memref<8192x768xf32, #tpu.memory_space<hbm>> -> memref<8192x768xf32, #tpu.memory_space<hbm>>
    tpu.enqueue_indirect_dma source(%arg8 : memref<128x768xf32, #tpu.memory_space<vmem>>) target(%dma_start3A_9 : memref<8192x768xf32, #tpu.memory_space<hbm>>) offsets(%arg7 : memref<128xi32, #tpu.memory_space<vmem>>) semaphore(%arg9 : memref<!tpu.dma_semaphore, #tpu.memory_space<semaphore_mem>>)
    %dma_wait3A_10 = arith.constant 0 : i32
    %dma_wait3A_11 = arith.constant 0 : i32
    %dma_wait3A_12 = tpu.memref_slice %arg5[%dma_wait3A_10, %dma_wait3A_11] : memref<8192x768xf32, #tpu.memory_space<hbm>> -> memref<8192x768xf32, #tpu.memory_space<hbm>>
    tpu.wait_indirect_dma semaphore(%arg9 : memref<!tpu.dma_semaphore, #tpu.memory_space<semaphore_mem>>) src(%arg8 : memref<128x768xf32, #tpu.memory_space<vmem>>) dst(%dma_wait3A_12 : memref<8192x768xf32, #tpu.memory_space<hbm>>)
    return
  }
}

module attributes {stable_mosaic.version = 14 : i64} {
  func.func @_gate_body(%arg0: i32, %arg1: memref<512x768xf32, #tpu.memory_space<vmem>>, %arg2: memref<64x768xf32, #tpu.memory_space<vmem>>, %arg3: memref<1x64xf32, #tpu.memory_space<vmem>>, %arg4: memref<512x1xi32, #tpu.memory_space<vmem>>, %arg5: memref<512x1xi32, #tpu.memory_space<vmem>>, %arg6: memref<512x1xf32, #tpu.memory_space<vmem>>, %arg7: memref<512x1xf32, #tpu.memory_space<vmem>>) attributes {dimension_semantics = [#tpu.dimension_semantics<arbitrary>], iteration_bounds = array<i64: 8>, scalar_prefetch = 0 : i64, scratch_operands = 0 : i64, tpu.core_type = #tpu.core_type<tc>, window_params = [{transform_indices = @transform_0, window_bounds = array<i64: 512, 768>}, {pipeline_mode = #tpu.pipeline_mode<synchronous>, transform_indices = @transform_1, window_bounds = array<i64: 64, 768>}, {pipeline_mode = #tpu.pipeline_mode<synchronous>, transform_indices = @transform_2, window_bounds = array<i64: 1, 64>}, {transform_indices = @transform_3, window_bounds = array<i64: 512, 1>}, {transform_indices = @transform_4, window_bounds = array<i64: 512, 1>}, {transform_indices = @transform_5, window_bounds = array<i64: 512, 1>}, {transform_indices = @transform_6, window_bounds = array<i64: 512, 1>}]} {
    %get3A = arith.constant 0 : index
    %get3A_0 = arith.constant 0 : index
    %get3A_1 = vector.load %arg1[%get3A, %get3A_0] : memref<512x768xf32, #tpu.memory_space<vmem>>, vector<512x768xf32>
    %convert_element_type3A = arith.truncf %get3A_1 : vector<512x768xf32> to vector<512x768xbf16>
    %get3A_2 = arith.constant 0 : index
    %get3A_3 = arith.constant 0 : index
    %get3A_4 = vector.load %arg2[%get3A_2, %get3A_3] : memref<64x768xf32, #tpu.memory_space<vmem>>, vector<64x768xf32>
    %convert_element_type3A_5 = arith.truncf %get3A_4 : vector<64x768xf32> to vector<64x768xbf16>
    %dot_general3A = arith.constant dense<0.000000e+00> : vector<512x64xf32>
    %dot_general3A_6 = tpu.matmul %convert_element_type3A, %convert_element_type3A_5, %dot_general3A {dimension_numbers = #tpu.dot_dimension_numbers<[1], [1], [0], [0], [0, 0, 1, 0], [], []>, transpose_lhs_hint = false} : vector<512x768xbf16>, vector<64x768xbf16>, vector<512x64xf32> -> vector<512x64xf32>
    %logistic3A = arith.negf %dot_general3A_6 : vector<512x64xf32>
    %logistic3A_7 = math.exp %logistic3A : vector<512x64xf32>
    %logistic3A_8 = arith.constant 1.000000e+00 : f32
    %logistic3A_9 = vector.broadcast %logistic3A_8 : f32 to vector<512x64xf32>
    %logistic3A_10 = arith.addf %logistic3A_9, %logistic3A_7 : vector<512x64xf32>
    %logistic3A_11 = arith.divf %logistic3A_9, %logistic3A_10 : vector<512x64xf32>
    %get3A_12 = arith.constant 0 : index
    %get3A_13 = arith.constant 0 : index
    %get3A_14 = vector.load %arg3[%get3A_12, %get3A_13] : memref<1x64xf32, #tpu.memory_space<vmem>>, vector<1x64xf32>
    %add3A = vector.broadcast %get3A_14 : vector<1x64xf32> to vector<512x64xf32>
    %add3A_15 = arith.addf %logistic3A_11, %add3A : vector<512x64xf32>
    %iota3A = tpu.iota {dimensions = array<i32: 1>} : vector<512x64xi32>
    %reduce_max3A = arith.constant dense<0xFF800000> : vector<512xf32>
    %reduce_max3A_16 = vector.multi_reduction <maximumf>, %add3A_15, %reduce_max3A [1] : vector<512x64xf32> to vector<512xf32>
    %broadcast_in_dim3A = vector.shape_cast %reduce_max3A_16 : vector<512xf32> to vector<512x1xf32>
    %eq3A = vector.broadcast %broadcast_in_dim3A : vector<512x1xf32> to vector<512x64xf32>
    %eq3A_17 = arith.cmpf oeq, %add3A_15, %eq3A : vector<512x64xf32>
    %jit3A = arith.constant 64 : i32
    %broadcast_in_dim3A_18 = vector.broadcast %jit3A : i32 to vector<512x64xi32>
    %select_n3A = arith.select %eq3A_17, %iota3A, %broadcast_in_dim3A_18 : vector<512x64xi1>, vector<512x64xi32>
    %reduce_min3A = arith.constant dense<2147483647> : vector<512xi32>
    %reduce_min3A_19 = vector.multi_reduction <minsi>, %select_n3A, %reduce_min3A [1] : vector<512x64xi32> to vector<512xi32>
    %broadcast_in_dim3A_20 = vector.shape_cast %reduce_min3A_19 : vector<512xi32> to vector<512x1xi32>
    %eq3A_21 = vector.broadcast %broadcast_in_dim3A_20 : vector<512x1xi32> to vector<512x64xi32>
    %eq3A_22 = arith.cmpi eq, %iota3A, %eq3A_21 : vector<512x64xi32>
    %jit3A_23 = arith.constant 0.000000e+00 : f32
    %broadcast_in_dim3A_24 = vector.broadcast %jit3A_23 : f32 to vector<512x64xf32>
    %select_n3A_25 = arith.select %eq3A_22, %logistic3A_11, %broadcast_in_dim3A_24 : vector<512x64xi1>, vector<512x64xf32>
    %reduce_sum3A = arith.constant dense<0.000000e+00> : vector<512xf32>
    %reduce_sum3A_26 = vector.multi_reduction <add>, %select_n3A_25, %reduce_sum3A [1] : vector<512x64xf32> to vector<512xf32>
    %broadcast_in_dim3A_27 = vector.shape_cast %reduce_sum3A_26 : vector<512xf32> to vector<512x1xf32>
    %eq3A_28 = vector.broadcast %broadcast_in_dim3A_20 : vector<512x1xi32> to vector<512x64xi32>
    %eq3A_29 = arith.cmpi eq, %iota3A, %eq3A_28 : vector<512x64xi32>
    %jit3A_30 = arith.constant 0xFF800000 : f32
    %broadcast_in_dim3A_31 = vector.broadcast %jit3A_30 : f32 to vector<512x64xf32>
    %select_n3A_32 = arith.select %eq3A_29, %broadcast_in_dim3A_31, %add3A_15 : vector<512x64xi1>, vector<512x64xf32>
    %reduce_max3A_33 = arith.constant dense<0xFF800000> : vector<512xf32>
    %reduce_max3A_34 = vector.multi_reduction <maximumf>, %select_n3A_32, %reduce_max3A_33 [1] : vector<512x64xf32> to vector<512xf32>
    %broadcast_in_dim3A_35 = vector.shape_cast %reduce_max3A_34 : vector<512xf32> to vector<512x1xf32>
    %eq3A_36 = vector.broadcast %broadcast_in_dim3A_35 : vector<512x1xf32> to vector<512x64xf32>
    %eq3A_37 = arith.cmpf oeq, %select_n3A_32, %eq3A_36 : vector<512x64xf32>
    %jit3A_38 = arith.constant 64 : i32
    %broadcast_in_dim3A_39 = vector.broadcast %jit3A_38 : i32 to vector<512x64xi32>
    %select_n3A_40 = arith.select %eq3A_37, %iota3A, %broadcast_in_dim3A_39 : vector<512x64xi1>, vector<512x64xi32>
    %reduce_min3A_41 = arith.constant dense<2147483647> : vector<512xi32>
    %reduce_min3A_42 = vector.multi_reduction <minsi>, %select_n3A_40, %reduce_min3A_41 [1] : vector<512x64xi32> to vector<512xi32>
    %broadcast_in_dim3A_43 = vector.shape_cast %reduce_min3A_42 : vector<512xi32> to vector<512x1xi32>
    %eq3A_44 = vector.broadcast %broadcast_in_dim3A_43 : vector<512x1xi32> to vector<512x64xi32>
    %eq3A_45 = arith.cmpi eq, %iota3A, %eq3A_44 : vector<512x64xi32>
    %jit3A_46 = arith.constant 0.000000e+00 : f32
    %broadcast_in_dim3A_47 = vector.broadcast %jit3A_46 : f32 to vector<512x64xf32>
    %select_n3A_48 = arith.select %eq3A_45, %logistic3A_11, %broadcast_in_dim3A_47 : vector<512x64xi1>, vector<512x64xf32>
    %reduce_sum3A_49 = arith.constant dense<0.000000e+00> : vector<512xf32>
    %reduce_sum3A_50 = vector.multi_reduction <add>, %select_n3A_48, %reduce_sum3A_49 [1] : vector<512x64xf32> to vector<512xf32>
    %broadcast_in_dim3A_51 = vector.shape_cast %reduce_sum3A_50 : vector<512xf32> to vector<512x1xf32>
    %add3A_52 = arith.addf %broadcast_in_dim3A_27, %broadcast_in_dim3A_51 : vector<512x1xf32>
    %swap3A = arith.constant 0 : index
    %swap3A_53 = arith.constant 0 : index
    %swap3A_54 = vector.load %arg4[%swap3A, %swap3A_53] : memref<512x1xi32, #tpu.memory_space<vmem>>, vector<512x1xi32>
    tpu.vector_store %arg4[%swap3A, %swap3A_53], %broadcast_in_dim3A_20 {strides = array<i32>} : memref<512x1xi32, #tpu.memory_space<vmem>>, vector<512x1xi32>,
    %swap3A_55 = arith.constant 0 : index
    %swap3A_56 = arith.constant 0 : index
    %swap3A_57 = vector.load %arg5[%swap3A_55, %swap3A_56] : memref<512x1xi32, #tpu.memory_space<vmem>>, vector<512x1xi32>
    tpu.vector_store %arg5[%swap3A_55, %swap3A_56], %broadcast_in_dim3A_43 {strides = array<i32>} : memref<512x1xi32, #tpu.memory_space<vmem>>, vector<512x1xi32>,
    %div3A = arith.divf %broadcast_in_dim3A_27, %add3A_52 : vector<512x1xf32>
    %swap3A_58 = arith.constant 0 : index
    %swap3A_59 = arith.constant 0 : index
    %swap3A_60 = vector.load %arg6[%swap3A_58, %swap3A_59] : memref<512x1xf32, #tpu.memory_space<vmem>>, vector<512x1xf32>
    tpu.vector_store %arg6[%swap3A_58, %swap3A_59], %div3A {strides = array<i32>} : memref<512x1xf32, #tpu.memory_space<vmem>>, vector<512x1xf32>,
    %div3A_61 = arith.divf %broadcast_in_dim3A_51, %add3A_52 : vector<512x1xf32>
    %swap3A_62 = arith.constant 0 : index
    %swap3A_63 = arith.constant 0 : index
    %swap3A_64 = vector.load %arg7[%swap3A_62, %swap3A_63] : memref<512x1xf32, #tpu.memory_space<vmem>>, vector<512x1xf32>
    tpu.vector_store %arg7[%swap3A_62, %swap3A_63], %div3A_61 {strides = array<i32>} : memref<512x1xf32, #tpu.memory_space<vmem>>, vector<512x1xf32>,
    return
  }
  func.func @transform_0(%arg0: i32) -> (i32, i32) {
    %c0_i32 = arith.constant 0 : i32
    %c0_i32_0 = arith.constant 0 : i32
    return %arg0, %c0_i32 : i32, i32
  }
  func.func @transform_1(%arg0: i32) -> (i32, i32) {
    %c0_i32 = arith.constant 0 : i32
    %c0_i32_0 = arith.constant 0 : i32
    %c0_i32_1 = arith.constant 0 : i32
    return %c0_i32, %c0_i32_0 : i32, i32
  }
  func.func @transform_2(%arg0: i32) -> (i32, i32) {
    %c0_i32 = arith.constant 0 : i32
    %c0_i32_0 = arith.constant 0 : i32
    %c0_i32_1 = arith.constant 0 : i32
    return %c0_i32, %c0_i32_0 : i32, i32
  }
  func.func @transform_3(%arg0: i32) -> (i32, i32) {
    %c0_i32 = arith.constant 0 : i32
    %c0_i32_0 = arith.constant 0 : i32
    return %arg0, %c0_i32 : i32, i32
  }
  func.func @transform_4(%arg0: i32) -> (i32, i32) {
    %c0_i32 = arith.constant 0 : i32
    %c0_i32_0 = arith.constant 0 : i32
    return %arg0, %c0_i32 : i32, i32
  }
  func.func @transform_5(%arg0: i32) -> (i32, i32) {
    %c0_i32 = arith.constant 0 : i32
    %c0_i32_0 = arith.constant 0 : i32
    return %arg0, %c0_i32 : i32, i32
  }
  func.func @transform_6(%arg0: i32) -> (i32, i32) {
    %c0_i32 = arith.constant 0 : i32
    %c0_i32_0 = arith.constant 0 : i32
    return %arg0, %c0_i32 : i32, i32
  }
}

module attributes {stable_mosaic.version = 14 : i64} {
  func.func @_meta_body(%arg0: i32, %arg1: i32, %arg2: memref<128x1xi32, #tpu.memory_space<vmem>>, %arg3: memref<128x1xi32, #tpu.memory_space<vmem>>, %arg4: memref<128x1xi32, #tpu.memory_space<vmem>>, %arg5: memref<128x1xi32, #tpu.memory_space<vmem>>, %arg6: memref<128x1xi32, #tpu.memory_space<vmem>>, %arg7: memref<128x1xi32, #tpu.memory_space<vmem>>, %arg8: memref<1x64xf32, #tpu.memory_space<vmem>>, %arg9: memref<1x64xf32, #tpu.memory_space<vmem>>) attributes {dimension_semantics = [#tpu.dimension_semantics<arbitrary>, #tpu.dimension_semantics<arbitrary>], iteration_bounds = array<i64: 2, 64>, scalar_prefetch = 0 : i64, scratch_operands = 2 : i64, tpu.core_type = #tpu.core_type<tc>, window_params = [{transform_indices = @transform_0, window_bounds = array<i64: 128, 1>}, {transform_indices = @transform_1, window_bounds = array<i64: 128, 1>}, {pipeline_mode = #tpu.pipeline_mode<synchronous>, transform_indices = @transform_2, window_bounds = array<i64: 128, 1>}, {pipeline_mode = #tpu.pipeline_mode<synchronous>, transform_indices = @transform_3, window_bounds = array<i64: 128, 1>}, {pipeline_mode = #tpu.pipeline_mode<synchronous>, transform_indices = @transform_4, window_bounds = array<i64: 128, 1>}, {pipeline_mode = #tpu.pipeline_mode<synchronous>, transform_indices = @transform_5, window_bounds = array<i64: 128, 1>}]} {
    %get3A = arith.constant 0 : index
    %get3A_0 = arith.constant 0 : index
    %get3A_1 = vector.load %arg2[%get3A, %get3A_0] : memref<128x1xi32, #tpu.memory_space<vmem>>, vector<128x1xi32>
    %iota3A = tpu.iota {dimensions = array<i32: 1>} : vector<128x64xi32>
    %eq3A = vector.broadcast %get3A_1 : vector<128x1xi32> to vector<128x64xi32>
    %eq3A_2 = arith.cmpi eq, %eq3A, %iota3A : vector<128x64xi32>
    %convert_element_type3A = arith.extui %eq3A_2 : vector<128x64xi1> to vector<128x64xi32>
    %convert_element_type3A_3 = arith.sitofp %convert_element_type3A : vector<128x64xi32> to vector<128x64xf32>
    %eq3A_4 = arith.constant 0 : i32
    %eq3A_5 = arith.cmpi eq, %arg0, %eq3A_4 : i32
    %eq3A_6 = arith.constant 0 : i32
    %eq3A_7 = arith.cmpi eq, %arg1, %eq3A_6 : i32
    %and3A = arith.andi %eq3A_5, %eq3A_7 : i1
    %convert_element_type3A_8 = arith.extui %and3A : i1 to i32
    %cond3A = arith.constant 0 : i32
    %cond3A_9 = arith.cmpi ne, %convert_element_type3A_8, %cond3A : i32
    scf.if %cond3A_9 {
      %broadcast_in_dim3A = arith.constant 0.000000e+00 : f32
      %broadcast_in_dim3A_28 = vector.broadcast %broadcast_in_dim3A : f32 to vector<1x64xf32>
      %swap3A = arith.constant 0 : index
      %swap3A_29 = arith.constant 0 : index
      %swap3A_30 = vector.load %arg8[%swap3A, %swap3A_29] : memref<1x64xf32, #tpu.memory_space<vmem>>, vector<1x64xf32>
      tpu.vector_store %arg8[%swap3A, %swap3A_29], %broadcast_in_dim3A_28 {strides = array<i32>} : memref<1x64xf32, #tpu.memory_space<vmem>>, vector<1x64xf32>,
    } else {
    }
    %eq3A_10 = arith.constant 0 : i32
    %eq3A_11 = arith.cmpi eq, %arg0, %eq3A_10 : i32
    %convert_element_type3A_12 = arith.extui %eq3A_11 : i1 to i32
    %cond3A_13 = arith.constant 0 : i32
    %cond3A_14 = arith.cmpi ne, %convert_element_type3A_12, %cond3A_13 : i32
    scf.if %cond3A_14 {
      %get3A_28 = arith.constant 0 : index
      %get3A_29 = arith.constant 0 : index
      %get3A_30 = vector.load %arg8[%get3A_28, %get3A_29] : memref<1x64xf32, #tpu.memory_space<vmem>>, vector<1x64xf32>
      %reduce_sum3A = arith.constant dense<0.000000e+00> : vector<64xf32>
      %reduce_sum3A_31 = vector.multi_reduction <add>, %convert_element_type3A_3, %reduce_sum3A [0] : vector<128x64xf32> to vector<64xf32>
      %broadcast_in_dim3A = vector.shape_cast %reduce_sum3A_31 : vector<64xf32> to vector<1x64xf32>
      %add3A = arith.addf %get3A_30, %broadcast_in_dim3A : vector<1x64xf32>
      %swap3A = arith.constant 0 : index
      %swap3A_32 = arith.constant 0 : index
      %swap3A_33 = vector.load %arg8[%swap3A, %swap3A_32] : memref<1x64xf32, #tpu.memory_space<vmem>>, vector<1x64xf32>
      tpu.vector_store %arg8[%swap3A, %swap3A_32], %add3A {strides = array<i32>} : memref<1x64xf32, #tpu.memory_space<vmem>>, vector<1x64xf32>,
    } else {
    }
    %eq3A_15 = arith.constant 1 : i32
    %eq3A_16 = arith.cmpi eq, %arg0, %eq3A_15 : i32
    %eq3A_17 = arith.constant 0 : i32
    %eq3A_18 = arith.cmpi eq, %arg1, %eq3A_17 : i32
    %and3A_19 = arith.andi %eq3A_16, %eq3A_18 : i1
    %convert_element_type3A_20 = arith.extui %and3A_19 : i1 to i32
    %cond3A_21 = arith.constant 0 : i32
    %cond3A_22 = arith.cmpi ne, %convert_element_type3A_20, %cond3A_21 : i32
    scf.if %cond3A_22 {
      %get3A_28 = arith.constant 0 : index
      %get3A_29 = arith.constant 0 : index
      %get3A_30 = vector.load %arg8[%get3A_28, %get3A_29] : memref<1x64xf32, #tpu.memory_space<vmem>>, vector<1x64xf32>
      %iota3A_31 = tpu.iota {dimensions = array<i32: 0>} : vector<64x64xi32>
      %iota3A_32 = tpu.iota {dimensions = array<i32: 1>} : vector<64x64xi32>
      %lt3A = arith.cmpi slt, %iota3A_31, %iota3A_32 : vector<64x64xi32>
      %convert_element_type3A_33 = arith.extui %lt3A : vector<64x64xi1> to vector<64x64xi32>
      %convert_element_type3A_34 = arith.sitofp %convert_element_type3A_33 : vector<64x64xi32> to vector<64x64xf32>
      %dot_general3A = arith.constant dense<0.000000e+00> : vector<1x64xf32>
      %dot_general3A_35 = tpu.matmul %get3A_30, %convert_element_type3A_34, %dot_general3A {dimension_numbers = #tpu.dot_dimension_numbers<[1], [0], [0], [1], [0, 0, 1, 1], [], []>, precision = #tpu.contract_precision<fp32>, transpose_lhs_hint = false} : vector<1x64xf32>, vector<64x64xf32>, vector<1x64xf32> -> vector<1x64xf32>
      %swap3A = arith.constant 0 : index
      %swap3A_36 = arith.constant 0 : index
      %swap3A_37 = vector.load %arg9[%swap3A, %swap3A_36] : memref<1x64xf32, #tpu.memory_space<vmem>>, vector<1x64xf32>
      tpu.vector_store %arg9[%swap3A, %swap3A_36], %dot_general3A_35 {strides = array<i32>} : memref<1x64xf32, #tpu.memory_space<vmem>>, vector<1x64xf32>,
      %add3A = arith.addf %dot_general3A_35, %get3A_30 : vector<1x64xf32>
      %mul3A = arith.constant 3.906250e-03 : f32
      %mul3A_38 = vector.broadcast %mul3A : f32 to vector<1x64xf32>
      %mul3A_39 = arith.mulf %dot_general3A_35, %mul3A_38 : vector<1x64xf32>
      %floor3A = math.floor %mul3A_39 : vector<1x64xf32>
      %sub3A = arith.constant 1.000000e+00 : f32
      %sub3A_40 = vector.broadcast %sub3A : f32 to vector<1x64xf32>
      %sub3A_41 = arith.subf %add3A, %sub3A_40 : vector<1x64xf32>
      %mul3A_42 = arith.constant 3.906250e-03 : f32
      %mul3A_43 = vector.broadcast %mul3A_42 : f32 to vector<1x64xf32>
      %mul3A_44 = arith.mulf %sub3A_41, %mul3A_43 : vector<1x64xf32>
      %floor3A_45 = math.floor %mul3A_44 : vector<1x64xf32>
      %gt3A = arith.constant 0.000000e+00 : f32
      %gt3A_46 = vector.broadcast %gt3A : f32 to vector<1x64xf32>
      %gt3A_47 = arith.cmpf ogt, %get3A_30, %gt3A_46 : vector<1x64xf32>
      %sub3A_48 = arith.subf %floor3A_45, %floor3A : vector<1x64xf32>
      %add3A_49 = arith.constant 1.000000e+00 : f32
      %add3A_50 = vector.broadcast %add3A_49 : f32 to vector<1x64xf32>
      %add3A_51 = arith.addf %sub3A_48, %add3A_50 : vector<1x64xf32>
      %jit3A = arith.constant 0.000000e+00 : f32
      %broadcast_in_dim3A = vector.broadcast %jit3A : f32 to vector<1x64xf32>
      %select_n3A = arith.select %gt3A_47, %add3A_51, %broadcast_in_dim3A : vector<1x64xi1>, vector<1x64xf32>
      %dot_general3A_52 = arith.constant dense<0.000000e+00> : vector<1x64xf32>
      %dot_general3A_53 = tpu.matmul %select_n3A, %convert_element_type3A_34, %dot_general3A_52 {dimension_numbers = #tpu.dot_dimension_numbers<[1], [0], [0], [1], [0, 0, 1, 1], [], []>, precision = #tpu.contract_precision<fp32>, transpose_lhs_hint = false} : vector<1x64xf32>, vector<64x64xf32>, vector<1x64xf32> -> vector<1x64xf32>
      %add3A_54 = arith.addf %dot_general3A_53, %select_n3A : vector<1x64xf32>
      %reduce_sum3A = arith.constant dense<0.000000e+00> : vector<1xf32>
      %reduce_sum3A_55 = vector.multi_reduction <add>, %select_n3A, %reduce_sum3A [1] : vector<1x64xf32> to vector<1xf32>
      %broadcast_in_dim3A_56 = vector.shape_cast %reduce_sum3A_55 : vector<1xf32> to vector<1x1xf32>
      %iota3A_57 = tpu.iota {dimensions = array<i32: 0>} : vector<128x1xi32>
      %convert_element_type3A_58 = arith.sitofp %iota3A_57 : vector<128x1xi32> to vector<128x1xf32>
      %iota3A_59 = tpu.iota {dimensions = array<i32: 0>} : vector<128x64xi32>
      %convert_element_type3A_60 = arith.sitofp %iota3A_59 : vector<128x64xi32> to vector<128x64xf32>
      %le3A = vector.broadcast %add3A_54 : vector<1x64xf32> to vector<128x64xf32>
      %le3A_61 = arith.cmpf ole, %le3A, %convert_element_type3A_60 : vector<128x64xf32>
      %convert_element_type3A_62 = arith.extui %le3A_61 : vector<128x64xi1> to vector<128x64xi32>
      %convert_element_type3A_63 = arith.sitofp %convert_element_type3A_62 : vector<128x64xi32> to vector<128x64xf32>
      %reduce_sum3A_64 = arith.constant dense<0.000000e+00> : vector<128xf32>
      %reduce_sum3A_65 = vector.multi_reduction <add>, %convert_element_type3A_63, %reduce_sum3A_64 [1] : vector<128x64xf32> to vector<128xf32>
      %broadcast_in_dim3A_66 = vector.shape_cast %reduce_sum3A_65 : vector<128xf32> to vector<128x1xf32>
      %min3A = arith.constant 6.300000e+01 : f32
      %min3A_67 = vector.broadcast %min3A : f32 to vector<128x1xf32>
      %min3A_68 = arith.minimumf %broadcast_in_dim3A_66, %min3A_67 : vector<128x1xf32>
      %iota3A_69 = tpu.iota {dimensions = array<i32: 1>} : vector<128x64xi32>
      %convert_element_type3A_70 = arith.sitofp %iota3A_69 : vector<128x64xi32> to vector<128x64xf32>
      %eq3A_71 = vector.broadcast %min3A_68 : vector<128x1xf32> to vector<128x64xf32>
      %eq3A_72 = arith.cmpf oeq, %convert_element_type3A_70, %eq3A_71 : vector<128x64xf32>
      %convert_element_type3A_73 = arith.extui %eq3A_72 : vector<128x64xi1> to vector<128x64xi32>
      %convert_element_type3A_74 = arith.sitofp %convert_element_type3A_73 : vector<128x64xi32> to vector<128x64xf32>
      %mul3A_75 = vector.broadcast %floor3A : vector<1x64xf32> to vector<128x64xf32>
      %mul3A_76 = arith.mulf %convert_element_type3A_74, %mul3A_75 : vector<128x64xf32>
      %reduce_sum3A_77 = arith.constant dense<0.000000e+00> : vector<128xf32>
      %reduce_sum3A_78 = vector.multi_reduction <add>, %mul3A_76, %reduce_sum3A_77 [1] : vector<128x64xf32> to vector<128xf32>
      %broadcast_in_dim3A_79 = vector.shape_cast %reduce_sum3A_78 : vector<128xf32> to vector<128x1xf32>
      %mul3A_80 = vector.broadcast %dot_general3A_53 : vector<1x64xf32> to vector<128x64xf32>
      %mul3A_81 = arith.mulf %convert_element_type3A_74, %mul3A_80 : vector<128x64xf32>
      %reduce_sum3A_82 = arith.constant dense<0.000000e+00> : vector<128xf32>
      %reduce_sum3A_83 = vector.multi_reduction <add>, %mul3A_81, %reduce_sum3A_82 [1] : vector<128x64xf32> to vector<128xf32>
      %broadcast_in_dim3A_84 = vector.shape_cast %reduce_sum3A_83 : vector<128xf32> to vector<128x1xf32>
      %sub3A_85 = arith.subf %convert_element_type3A_58, %broadcast_in_dim3A_84 : vector<128x1xf32>
      %add3A_86 = arith.addf %broadcast_in_dim3A_79, %sub3A_85 : vector<128x1xf32>
      %mul3A_87 = vector.broadcast %dot_general3A_35 : vector<1x64xf32> to vector<128x64xf32>
      %mul3A_88 = arith.mulf %convert_element_type3A_74, %mul3A_87 : vector<128x64xf32>
      %reduce_sum3A_89 = arith.constant dense<0.000000e+00> : vector<128xf32>
      %reduce_sum3A_90 = vector.multi_reduction <add>, %mul3A_88, %reduce_sum3A_89 [1] : vector<128x64xf32> to vector<128xf32>
      %broadcast_in_dim3A_91 = vector.shape_cast %reduce_sum3A_90 : vector<128xf32> to vector<128x1xf32>
      %mul3A_92 = arith.constant 2.560000e+02 : f32
      %mul3A_93 = vector.broadcast %mul3A_92 : f32 to vector<128x1xf32>
      %mul3A_94 = arith.mulf %add3A_86, %mul3A_93 : vector<128x1xf32>
      %max3A = arith.maximumf %broadcast_in_dim3A_91, %mul3A_94 : vector<128x1xf32>
      %mul3A_95 = vector.broadcast %add3A : vector<1x64xf32> to vector<128x64xf32>
      %mul3A_96 = arith.mulf %convert_element_type3A_74, %mul3A_95 : vector<128x64xf32>
      %reduce_sum3A_97 = arith.constant dense<0.000000e+00> : vector<128xf32>
      %reduce_sum3A_98 = vector.multi_reduction <add>, %mul3A_96, %reduce_sum3A_97 [1] : vector<128x64xf32> to vector<128xf32>
      %broadcast_in_dim3A_99 = vector.shape_cast %reduce_sum3A_98 : vector<128xf32> to vector<128x1xf32>
      %add3A_100 = arith.constant 1.000000e+00 : f32
      %add3A_101 = vector.broadcast %add3A_100 : f32 to vector<128x1xf32>
      %add3A_102 = arith.addf %add3A_86, %add3A_101 : vector<128x1xf32>
      %mul3A_103 = arith.constant 2.560000e+02 : f32
      %mul3A_104 = vector.broadcast %mul3A_103 : f32 to vector<128x1xf32>
      %mul3A_105 = arith.mulf %add3A_102, %mul3A_104 : vector<128x1xf32>
      %min3A_106 = arith.minimumf %broadcast_in_dim3A_99, %mul3A_105 : vector<128x1xf32>
      %ge3A = vector.broadcast %broadcast_in_dim3A_56 : vector<1x1xf32> to vector<128x1xf32>
      %ge3A_107 = arith.cmpf oge, %convert_element_type3A_58, %ge3A : vector<128x1xf32>
      %jit3A_108 = arith.constant 6.300000e+01 : f32
      %broadcast_in_dim3A_109 = vector.broadcast %jit3A_108 : f32 to vector<128x1xf32>
      %select_n3A_110 = arith.select %ge3A_107, %broadcast_in_dim3A_109, %min3A_68 : vector<128x1xi1>, vector<128x1xf32>
      %jit3A_111 = arith.constant 3.100000e+01 : f32
      %broadcast_in_dim3A_112 = vector.broadcast %jit3A_111 : f32 to vector<128x1xf32>
      %select_n3A_113 = arith.select %ge3A_107, %broadcast_in_dim3A_112, %add3A_86 : vector<128x1xi1>, vector<128x1xf32>
      %jit3A_114 = arith.constant 0.000000e+00 : f32
      %broadcast_in_dim3A_115 = vector.broadcast %jit3A_114 : f32 to vector<128x1xf32>
      %select_n3A_116 = arith.select %ge3A_107, %broadcast_in_dim3A_115, %max3A : vector<128x1xi1>, vector<128x1xf32>
      %jit3A_117 = arith.constant 0.000000e+00 : f32
      %broadcast_in_dim3A_118 = vector.broadcast %jit3A_117 : f32 to vector<128x1xf32>
      %select_n3A_119 = arith.select %ge3A_107, %broadcast_in_dim3A_118, %min3A_106 : vector<128x1xi1>, vector<128x1xf32>
      %convert_element_type3A_120 = arith.fptosi %select_n3A_110 : vector<128x1xf32> to vector<128x1xi32>
      %swap3A_121 = arith.constant 0 : index
      %swap3A_122 = arith.constant 0 : index
      %swap3A_123 = vector.load %arg4[%swap3A_121, %swap3A_122] : memref<128x1xi32, #tpu.memory_space<vmem>>, vector<128x1xi32>
      tpu.vector_store %arg4[%swap3A_121, %swap3A_122], %convert_element_type3A_120 {strides = array<i32>} : memref<128x1xi32, #tpu.memory_space<vmem>>, vector<128x1xi32>,
      %convert_element_type3A_124 = arith.fptosi %select_n3A_113 : vector<128x1xf32> to vector<128x1xi32>
      %swap3A_125 = arith.constant 0 : index
      %swap3A_126 = arith.constant 0 : index
      %swap3A_127 = vector.load %arg5[%swap3A_125, %swap3A_126] : memref<128x1xi32, #tpu.memory_space<vmem>>, vector<128x1xi32>
      tpu.vector_store %arg5[%swap3A_125, %swap3A_126], %convert_element_type3A_124 {strides = array<i32>} : memref<128x1xi32, #tpu.memory_space<vmem>>, vector<128x1xi32>,
      %convert_element_type3A_128 = arith.fptosi %select_n3A_116 : vector<128x1xf32> to vector<128x1xi32>
      %swap3A_129 = arith.constant 0 : index
      %swap3A_130 = arith.constant 0 : index
      %swap3A_131 = vector.load %arg6[%swap3A_129, %swap3A_130] : memref<128x1xi32, #tpu.memory_space<vmem>>, vector<128x1xi32>
      tpu.vector_store %arg6[%swap3A_129, %swap3A_130], %convert_element_type3A_128 {strides = array<i32>} : memref<128x1xi32, #tpu.memory_space<vmem>>, vector<128x1xi32>,
      %convert_element_type3A_132 = arith.fptosi %select_n3A_119 : vector<128x1xf32> to vector<128x1xi32>
      %swap3A_133 = arith.constant 0 : index
      %swap3A_134 = arith.constant 0 : index
      %swap3A_135 = vector.load %arg7[%swap3A_133, %swap3A_134] : memref<128x1xi32, #tpu.memory_space<vmem>>, vector<128x1xi32>
      tpu.vector_store %arg7[%swap3A_133, %swap3A_134], %convert_element_type3A_132 {strides = array<i32>} : memref<128x1xi32, #tpu.memory_space<vmem>>, vector<128x1xi32>,
    } else {
    }
    %eq3A_23 = arith.constant 1 : i32
    %eq3A_24 = arith.cmpi eq, %arg0, %eq3A_23 : i32
    %convert_element_type3A_25 = arith.extui %eq3A_24 : i1 to i32
    %cond3A_26 = arith.constant 0 : i32
    %cond3A_27 = arith.cmpi ne, %convert_element_type3A_25, %cond3A_26 : i32
    scf.if %cond3A_27 {
      %iota3A_28 = tpu.iota {dimensions = array<i32: 0>} : vector<128x128xi32>
      %iota3A_29 = tpu.iota {dimensions = array<i32: 1>} : vector<128x128xi32>
      %lt3A = arith.cmpi slt, %iota3A_29, %iota3A_28 : vector<128x128xi32>
      %convert_element_type3A_30 = arith.extui %lt3A : vector<128x128xi1> to vector<128x128xi32>
      %convert_element_type3A_31 = arith.sitofp %convert_element_type3A_30 : vector<128x128xi32> to vector<128x128xf32>
      %dot_general3A = arith.constant dense<0.000000e+00> : vector<128x64xf32>
      %dot_general3A_32 = tpu.matmul %convert_element_type3A_31, %convert_element_type3A_3, %dot_general3A {dimension_numbers = #tpu.dot_dimension_numbers<[1], [0], [0], [1], [0, 0, 1, 1], [], []>, precision = #tpu.contract_precision<fp32>, transpose_lhs_hint = false} : vector<128x128xf32>, vector<128x64xf32>, vector<128x64xf32> -> vector<128x64xf32>
      %get3A_33 = arith.constant 0 : index
      %get3A_34 = arith.constant 0 : index
      %get3A_35 = vector.load %arg9[%get3A_33, %get3A_34] : memref<1x64xf32, #tpu.memory_space<vmem>>, vector<1x64xf32>
      %mul3A = arith.mulf %convert_element_type3A_3, %dot_general3A_32 : vector<128x64xf32>
      %reduce_sum3A = arith.constant dense<0.000000e+00> : vector<128xf32>
      %reduce_sum3A_36 = vector.multi_reduction <add>, %mul3A, %reduce_sum3A [1] : vector<128x64xf32> to vector<128xf32>
      %broadcast_in_dim3A = vector.shape_cast %reduce_sum3A_36 : vector<128xf32> to vector<128x1xf32>
      %mul3A_37 = vector.broadcast %get3A_35 : vector<1x64xf32> to vector<128x64xf32>
      %mul3A_38 = arith.mulf %convert_element_type3A_3, %mul3A_37 : vector<128x64xf32>
      %reduce_sum3A_39 = arith.constant dense<0.000000e+00> : vector<128xf32>
      %reduce_sum3A_40 = vector.multi_reduction <add>, %mul3A_38, %reduce_sum3A_39 [1] : vector<128x64xf32> to vector<128xf32>
      %broadcast_in_dim3A_41 = vector.shape_cast %reduce_sum3A_40 : vector<128xf32> to vector<128x1xf32>
      %add3A = arith.addf %broadcast_in_dim3A, %broadcast_in_dim3A_41 : vector<128x1xf32>
      %convert_element_type3A_42 = arith.fptosi %add3A : vector<128x1xf32> to vector<128x1xi32>
      %swap3A = arith.constant 0 : index
      %swap3A_43 = arith.constant 0 : index
      %swap3A_44 = vector.load %arg3[%swap3A, %swap3A_43] : memref<128x1xi32, #tpu.memory_space<vmem>>, vector<128x1xi32>
      tpu.vector_store %arg3[%swap3A, %swap3A_43], %convert_element_type3A_42 {strides = array<i32>} : memref<128x1xi32, #tpu.memory_space<vmem>>, vector<128x1xi32>,
      %reduce_sum3A_45 = arith.constant dense<0.000000e+00> : vector<64xf32>
      %reduce_sum3A_46 = vector.multi_reduction <add>, %convert_element_type3A_3, %reduce_sum3A_45 [0] : vector<128x64xf32> to vector<64xf32>
      %broadcast_in_dim3A_47 = vector.shape_cast %reduce_sum3A_46 : vector<64xf32> to vector<1x64xf32>
      %add3A_48 = arith.addf %get3A_35, %broadcast_in_dim3A_47 : vector<1x64xf32>
      %swap3A_49 = arith.constant 0 : index
      %swap3A_50 = arith.constant 0 : index
      %swap3A_51 = vector.load %arg9[%swap3A_49, %swap3A_50] : memref<1x64xf32, #tpu.memory_space<vmem>>, vector<1x64xf32>
      tpu.vector_store %arg9[%swap3A_49, %swap3A_50], %add3A_48 {strides = array<i32>} : memref<1x64xf32, #tpu.memory_space<vmem>>, vector<1x64xf32>,
    } else {
    }
    return
  }
  func.func @transform_0(%arg0: i32, %arg1: i32) -> (i32, i32) {
    %c0_i32 = arith.constant 0 : i32
    %c0_i32_0 = arith.constant 0 : i32
    return %arg1, %c0_i32 : i32, i32
  }
  func.func @transform_1(%arg0: i32, %arg1: i32) -> (i32, i32) {
    %mul3A = arith.muli %arg0, %arg1 : i32
    %c0_i32 = arith.constant 0 : i32
    %c0_i32_0 = arith.constant 0 : i32
    return %mul3A, %c0_i32 : i32, i32
  }
  func.func @transform_2(%arg0: i32, %arg1: i32) -> (i32, i32) {
    %c0_i32 = arith.constant 0 : i32
    %c0_i32_0 = arith.constant 0 : i32
    %c0_i32_1 = arith.constant 0 : i32
    return %c0_i32, %c0_i32_0 : i32, i32
  }
  func.func @transform_3(%arg0: i32, %arg1: i32) -> (i32, i32) {
    %c0_i32 = arith.constant 0 : i32
    %c0_i32_0 = arith.constant 0 : i32
    %c0_i32_1 = arith.constant 0 : i32
    return %c0_i32, %c0_i32_0 : i32, i32
  }
  func.func @transform_4(%arg0: i32, %arg1: i32) -> (i32, i32) {
    %c0_i32 = arith.constant 0 : i32
    %c0_i32_0 = arith.constant 0 : i32
    %c0_i32_1 = arith.constant 0 : i32
    return %c0_i32, %c0_i32_0 : i32, i32
  }
  func.func @transform_5(%arg0: i32, %arg1: i32) -> (i32, i32) {
    %c0_i32 = arith.constant 0 : i32
    %c0_i32_0 = arith.constant 0 : i32
    %c0_i32_1 = arith.constant 0 : i32
    return %c0_i32, %c0_i32_0 : i32, i32
  }
}

module attributes {stable_mosaic.version = 14 : i64} {
  func.func @_gmm_body(%arg0: i32, %arg1: memref<128xi32, #tpu.memory_space<smem>>, %arg2: memref<128xi32, #tpu.memory_space<smem>>, %arg3: memref<128xi32, #tpu.memory_space<smem>>, %arg4: memref<128xi32, #tpu.memory_space<smem>>, %arg5: memref<256x768xf32, #tpu.memory_space<vmem>>, %arg6: memref<1x512x768xf32, #tpu.memory_space<vmem>>, %arg7: memref<1x768x256xf32, #tpu.memory_space<vmem>>, %arg8: memref<256x768xf32, #tpu.memory_space<vmem>>) attributes {dimension_semantics = [#tpu.dimension_semantics<arbitrary>], iteration_bounds = array<i64: 96>, scalar_prefetch = 4 : i64, scratch_operands = 0 : i64, tpu.core_type = #tpu.core_type<tc>, window_params = [{transform_indices = @transform_0, window_bounds = array<i64: 256, 768>}, {transform_indices = @transform_1, window_bounds = array<i64: 1, 512, 768>}, {transform_indices = @transform_2, window_bounds = array<i64: 1, 768, 256>}, {transform_indices = @transform_3, window_bounds = array<i64: 256, 768>}]} {
    %get3A = arith.index_cast %arg0 : i32 to index
    %get3A_0 = memref.load %arg2[%get3A] : memref<128xi32, #tpu.memory_space<smem>>
    %get3A_1 = arith.index_cast %arg0 : i32 to index
    %get3A_2 = memref.load %arg3[%get3A_1] : memref<128xi32, #tpu.memory_space<smem>>
    %get3A_3 = arith.index_cast %arg0 : i32 to index
    %get3A_4 = memref.load %arg4[%get3A_3] : memref<128xi32, #tpu.memory_space<smem>>
    %sub3A = arith.constant 1 : i32
    %sub3A_5 = arith.subi %arg0, %sub3A : i32
    %max3A = arith.constant 0 : i32
    %max3A_6 = arith.maxsi %sub3A_5, %max3A : i32
    %get3A_7 = arith.index_cast %max3A_6 : i32 to index
    %get3A_8 = memref.load %arg2[%get3A_7] : memref<128xi32, #tpu.memory_space<smem>>
    %eq3A = arith.constant 0 : i32
    %eq3A_9 = arith.cmpi eq, %arg0, %eq3A : i32
    %ne3A = arith.cmpi ne, %get3A_0, %get3A_8 : i32
    %or3A = arith.ori %eq3A_9, %ne3A : i1
    %mul3A = arith.constant 256 : i32
    %mul3A_10 = arith.muli %get3A_0, %mul3A : i32
    %iota3A = tpu.iota {dimensions = array<i32: 0>} : vector<256x1xi32>
    %add3A = vector.broadcast %mul3A_10 : i32 to vector<256x1xi32>
    %add3A_11 = arith.addi %add3A, %iota3A : vector<256x1xi32>
    %ge3A = vector.broadcast %get3A_2 : i32 to vector<256x1xi32>
    %ge3A_12 = arith.cmpi sge, %add3A_11, %ge3A : vector<256x1xi32>
    %lt3A = vector.broadcast %get3A_4 : i32 to vector<256x1xi32>
    %lt3A_13 = arith.cmpi slt, %add3A_11, %lt3A : vector<256x1xi32>
    %and3A = arith.andi %ge3A_12, %lt3A_13 : vector<256x1xi1>
    %convert_element_type3A = arith.extui %and3A : vector<256x1xi1> to vector<256x1xi32>
    %convert_element_type3A_14 = arith.sitofp %convert_element_type3A : vector<256x1xi32> to vector<256x1xf32>
    %get3A_15 = arith.constant 0 : index
    %get3A_16 = arith.constant 0 : index
    %get3A_17 = vector.load %arg5[%get3A_15, %get3A_16] : memref<256x768xf32, #tpu.memory_space<vmem>>, vector<256x768xf32>
    %convert_element_type3A_18 = arith.truncf %get3A_17 : vector<256x768xf32> to vector<256x768xbf16>
    %get3A_19 = arith.constant 0 : index
    %get3A_20 = arith.constant 0 : index
    %get3A_21 = arith.constant 0 : index
    %get3A_22 = vector.load %arg6[%get3A_19, %get3A_20, %get3A_21] : memref<1x512x768xf32, #tpu.memory_space<vmem>>, vector<1x512x768xf32>
    %get3A_23 = vector.shape_cast %get3A_22 : vector<1x512x768xf32> to vector<512x768xf32>
    %convert_element_type3A_24 = arith.truncf %get3A_23 : vector<512x768xf32> to vector<512x768xbf16>
    %get3A_25 = arith.constant 0 : index
    %get3A_26 = arith.constant 0 : index
    %get3A_27 = arith.constant 0 : index
    %get3A_28 = vector.load %arg7[%get3A_25, %get3A_26, %get3A_27] : memref<1x768x256xf32, #tpu.memory_space<vmem>>, vector<1x768x256xf32>
    %get3A_29 = vector.shape_cast %get3A_28 : vector<1x768x256xf32> to vector<768x256xf32>
    %convert_element_type3A_30 = arith.truncf %get3A_29 : vector<768x256xf32> to vector<768x256xbf16>
    %dot_general3A = arith.constant dense<0.000000e+00> : vector<256x512xf32>
    %dot_general3A_31 = tpu.matmul %convert_element_type3A_18, %convert_element_type3A_24, %dot_general3A {dimension_numbers = #tpu.dot_dimension_numbers<[1], [1], [0], [0], [0, 0, 1, 0], [], []>, transpose_lhs_hint = false} : vector<256x768xbf16>, vector<512x768xbf16>, vector<256x512xf32> -> vector<256x512xf32>
    %slice3A = vector.extract_strided_slice %dot_general3A_31 {offsets = [0, 256], sizes = [256, 256], strides = [1, 1]} : vector<256x512xf32> to vector<256x256xf32>
    %logistic3A = arith.negf %slice3A : vector<256x256xf32>
    %logistic3A_32 = math.exp %logistic3A : vector<256x256xf32>
    %logistic3A_33 = arith.constant 1.000000e+00 : f32
    %logistic3A_34 = vector.broadcast %logistic3A_33 : f32 to vector<256x256xf32>
    %logistic3A_35 = arith.addf %logistic3A_34, %logistic3A_32 : vector<256x256xf32>
    %logistic3A_36 = arith.divf %logistic3A_34, %logistic3A_35 : vector<256x256xf32>
    %mul3A_37 = arith.mulf %slice3A, %logistic3A_36 : vector<256x256xf32>
    %slice3A_38 = vector.extract_strided_slice %dot_general3A_31 {offsets = [0, 0], sizes = [256, 256], strides = [1, 1]} : vector<256x512xf32> to vector<256x256xf32>
    %mul3A_39 = arith.mulf %mul3A_37, %slice3A_38 : vector<256x256xf32>
    %mul3A_40 = vector.broadcast %convert_element_type3A_14 : vector<256x1xf32> to vector<256x256xf32>
    %mul3A_41 = arith.mulf %mul3A_39, %mul3A_40 : vector<256x256xf32>
    %convert_element_type3A_42 = arith.truncf %mul3A_41 : vector<256x256xf32> to vector<256x256xbf16>
    %dot_general3A_43 = arith.constant dense<0.000000e+00> : vector<256x768xf32>
    %dot_general3A_44 = tpu.matmul %convert_element_type3A_42, %convert_element_type3A_30, %dot_general3A_43 {dimension_numbers = #tpu.dot_dimension_numbers<[1], [1], [0], [0], [0, 0, 1, 0], [], []>, transpose_lhs_hint = false} : vector<256x256xbf16>, vector<768x256xbf16>, vector<256x768xf32> -> vector<256x768xf32>
    %convert_element_type3A_45 = arith.extui %or3A : i1 to i32
    %cond3A = arith.constant 0 : i32
    %cond3A_46 = arith.cmpi ne, %convert_element_type3A_45, %cond3A : i32
    scf.if %cond3A_46 {
      %swap3A = arith.constant 0 : index
      %swap3A_51 = arith.constant 0 : index
      %swap3A_52 = vector.load %arg8[%swap3A, %swap3A_51] : memref<256x768xf32, #tpu.memory_space<vmem>>, vector<256x768xf32>
      tpu.vector_store %arg8[%swap3A, %swap3A_51], %dot_general3A_44 {strides = array<i32>} : memref<256x768xf32, #tpu.memory_space<vmem>>, vector<256x768xf32>,
    } else {
    }
    %not3A = arith.constant true
    %not3A_47 = arith.xori %or3A, %not3A : i1
    %convert_element_type3A_48 = arith.extui %not3A_47 : i1 to i32
    %cond3A_49 = arith.constant 0 : i32
    %cond3A_50 = arith.cmpi ne, %convert_element_type3A_48, %cond3A_49 : i32
    scf.if %cond3A_50 {
      %get3A_51 = arith.constant 0 : index
      %get3A_52 = arith.constant 0 : index
      %get3A_53 = vector.load %arg8[%get3A_51, %get3A_52] : memref<256x768xf32, #tpu.memory_space<vmem>>, vector<256x768xf32>
      %add3A_54 = arith.addf %get3A_53, %dot_general3A_44 : vector<256x768xf32>
      %swap3A = arith.constant 0 : index
      %swap3A_55 = arith.constant 0 : index
      %swap3A_56 = vector.load %arg8[%swap3A, %swap3A_55] : memref<256x768xf32, #tpu.memory_space<vmem>>, vector<256x768xf32>
      tpu.vector_store %arg8[%swap3A, %swap3A_55], %add3A_54 {strides = array<i32>} : memref<256x768xf32, #tpu.memory_space<vmem>>, vector<256x768xf32>,
    } else {
    }
    return
  }
  func.func @transform_0(%arg0: i32, %arg1: memref<128xi32, #tpu.memory_space<smem>>, %arg2: memref<128xi32, #tpu.memory_space<smem>>, %arg3: memref<128xi32, #tpu.memory_space<smem>>, %arg4: memref<128xi32, #tpu.memory_space<smem>>) -> (i32, i32) {
    %get3A = arith.index_cast %arg0 : i32 to index
    %get3A_0 = memref.load %arg2[%get3A] : memref<128xi32, #tpu.memory_space<smem>>
    %c0_i32 = arith.constant 0 : i32
    %c0_i32_1 = arith.constant 0 : i32
    return %get3A_0, %c0_i32 : i32, i32
  }
  func.func @transform_1(%arg0: i32, %arg1: memref<128xi32, #tpu.memory_space<smem>>, %arg2: memref<128xi32, #tpu.memory_space<smem>>, %arg3: memref<128xi32, #tpu.memory_space<smem>>, %arg4: memref<128xi32, #tpu.memory_space<smem>>) -> (i32, i32, i32) {
    %get3A = arith.index_cast %arg0 : i32 to index
    %get3A_0 = memref.load %arg1[%get3A] : memref<128xi32, #tpu.memory_space<smem>>
    %c0_i32 = arith.constant 0 : i32
    %c0_i32_1 = arith.constant 0 : i32
    %c0_i32_2 = arith.constant 0 : i32
    return %get3A_0, %c0_i32, %c0_i32_1 : i32, i32, i32
  }
  func.func @transform_2(%arg0: i32, %arg1: memref<128xi32, #tpu.memory_space<smem>>, %arg2: memref<128xi32, #tpu.memory_space<smem>>, %arg3: memref<128xi32, #tpu.memory_space<smem>>, %arg4: memref<128xi32, #tpu.memory_space<smem>>) -> (i32, i32, i32) {
    %get3A = arith.index_cast %arg0 : i32 to index
    %get3A_0 = memref.load %arg1[%get3A] : memref<128xi32, #tpu.memory_space<smem>>
    %c0_i32 = arith.constant 0 : i32
    %c0_i32_1 = arith.constant 0 : i32
    %c0_i32_2 = arith.constant 0 : i32
    return %get3A_0, %c0_i32, %c0_i32_1 : i32, i32, i32
  }
  func.func @transform_3(%arg0: i32, %arg1: memref<128xi32, #tpu.memory_space<smem>>, %arg2: memref<128xi32, #tpu.memory_space<smem>>, %arg3: memref<128xi32, #tpu.memory_space<smem>>, %arg4: memref<128xi32, #tpu.memory_space<smem>>) -> (i32, i32) {
    %get3A = arith.index_cast %arg0 : i32 to index
    %get3A_0 = memref.load %arg2[%get3A] : memref<128xi32, #tpu.memory_space<smem>>
    %c0_i32 = arith.constant 0 : i32
    %c0_i32_1 = arith.constant 0 : i32
    return %get3A_0, %c0_i32 : i32, i32
  }
}

module attributes {stable_mosaic.version = 14 : i64} {
  func.func @_final_body(%arg0: i32, %arg1: memref<512x768xf32, #tpu.memory_space<vmem>>, %arg2: memref<512x768xf32, #tpu.memory_space<vmem>>, %arg3: memref<512x768xf32, #tpu.memory_space<vmem>>, %arg4: memref<512x1xf32, #tpu.memory_space<vmem>>, %arg5: memref<512x1xf32, #tpu.memory_space<vmem>>, %arg6: memref<1024x768xf32, #tpu.memory_space<vmem>>, %arg7: memref<768x512xf32, #tpu.memory_space<vmem>>, %arg8: memref<512x768xf32, #tpu.memory_space<vmem>>) attributes {dimension_semantics = [#tpu.dimension_semantics<arbitrary>], iteration_bounds = array<i64: 8>, scalar_prefetch = 0 : i64, scratch_operands = 0 : i64, tpu.core_type = #tpu.core_type<tc>, window_params = [{transform_indices = @transform_0, window_bounds = array<i64: 512, 768>}, {transform_indices = @transform_1, window_bounds = array<i64: 512, 768>}, {transform_indices = @transform_2, window_bounds = array<i64: 512, 768>}, {transform_indices = @transform_3, window_bounds = array<i64: 512, 1>}, {transform_indices = @transform_4, window_bounds = array<i64: 512, 1>}, {pipeline_mode = #tpu.pipeline_mode<synchronous>, transform_indices = @transform_5, window_bounds = array<i64: 1024, 768>}, {pipeline_mode = #tpu.pipeline_mode<synchronous>, transform_indices = @transform_6, window_bounds = array<i64: 768, 512>}, {transform_indices = @transform_7, window_bounds = array<i64: 512, 768>}]} {
    %get3A = arith.constant 0 : index
    %get3A_0 = arith.constant 0 : index
    %get3A_1 = vector.load %arg1[%get3A, %get3A_0] : memref<512x768xf32, #tpu.memory_space<vmem>>, vector<512x768xf32>
    %convert_element_type3A = arith.truncf %get3A_1 : vector<512x768xf32> to vector<512x768xbf16>
    %get3A_2 = arith.constant 0 : index
    %get3A_3 = arith.constant 0 : index
    %get3A_4 = vector.load %arg6[%get3A_2, %get3A_3] : memref<1024x768xf32, #tpu.memory_space<vmem>>, vector<1024x768xf32>
    %convert_element_type3A_5 = arith.truncf %get3A_4 : vector<1024x768xf32> to vector<1024x768xbf16>
    %get3A_6 = arith.constant 0 : index
    %get3A_7 = arith.constant 0 : index
    %get3A_8 = vector.load %arg7[%get3A_6, %get3A_7] : memref<768x512xf32, #tpu.memory_space<vmem>>, vector<768x512xf32>
    %convert_element_type3A_9 = arith.truncf %get3A_8 : vector<768x512xf32> to vector<768x512xbf16>
    %dot_general3A = arith.constant dense<0.000000e+00> : vector<512x1024xf32>
    %dot_general3A_10 = tpu.matmul %convert_element_type3A, %convert_element_type3A_5, %dot_general3A {dimension_numbers = #tpu.dot_dimension_numbers<[1], [1], [0], [0], [0, 0, 1, 0], [], []>, transpose_lhs_hint = false} : vector<512x768xbf16>, vector<1024x768xbf16>, vector<512x1024xf32> -> vector<512x1024xf32>
    %slice3A = vector.extract_strided_slice %dot_general3A_10 {offsets = [0, 512], sizes = [512, 512], strides = [1, 1]} : vector<512x1024xf32> to vector<512x512xf32>
    %logistic3A = arith.negf %slice3A : vector<512x512xf32>
    %logistic3A_11 = math.exp %logistic3A : vector<512x512xf32>
    %logistic3A_12 = arith.constant 1.000000e+00 : f32
    %logistic3A_13 = vector.broadcast %logistic3A_12 : f32 to vector<512x512xf32>
    %logistic3A_14 = arith.addf %logistic3A_13, %logistic3A_11 : vector<512x512xf32>
    %logistic3A_15 = arith.divf %logistic3A_13, %logistic3A_14 : vector<512x512xf32>
    %mul3A = arith.mulf %slice3A, %logistic3A_15 : vector<512x512xf32>
    %slice3A_16 = vector.extract_strided_slice %dot_general3A_10 {offsets = [0, 0], sizes = [512, 512], strides = [1, 1]} : vector<512x1024xf32> to vector<512x512xf32>
    %mul3A_17 = arith.mulf %mul3A, %slice3A_16 : vector<512x512xf32>
    %convert_element_type3A_18 = arith.truncf %mul3A_17 : vector<512x512xf32> to vector<512x512xbf16>
    %dot_general3A_19 = arith.constant dense<0.000000e+00> : vector<512x768xf32>
    %dot_general3A_20 = tpu.matmul %convert_element_type3A_18, %convert_element_type3A_9, %dot_general3A_19 {dimension_numbers = #tpu.dot_dimension_numbers<[1], [1], [0], [0], [0, 0, 1, 0], [], []>, transpose_lhs_hint = false} : vector<512x512xbf16>, vector<768x512xbf16>, vector<512x768xf32> -> vector<512x768xf32>
    %get3A_21 = arith.constant 0 : index
    %get3A_22 = arith.constant 0 : index
    %get3A_23 = vector.load %arg4[%get3A_21, %get3A_22] : memref<512x1xf32, #tpu.memory_space<vmem>>, vector<512x1xf32>
    %get3A_24 = arith.constant 0 : index
    %get3A_25 = arith.constant 0 : index
    %get3A_26 = vector.load %arg2[%get3A_24, %get3A_25] : memref<512x768xf32, #tpu.memory_space<vmem>>, vector<512x768xf32>
    %mul3A_27 = vector.broadcast %get3A_23 : vector<512x1xf32> to vector<512x768xf32>
    %mul3A_28 = arith.mulf %mul3A_27, %get3A_26 : vector<512x768xf32>
    %add3A = arith.addf %dot_general3A_20, %mul3A_28 : vector<512x768xf32>
    %get3A_29 = arith.constant 0 : index
    %get3A_30 = arith.constant 0 : index
    %get3A_31 = vector.load %arg5[%get3A_29, %get3A_30] : memref<512x1xf32, #tpu.memory_space<vmem>>, vector<512x1xf32>
    %get3A_32 = arith.constant 0 : index
    %get3A_33 = arith.constant 0 : index
    %get3A_34 = vector.load %arg3[%get3A_32, %get3A_33] : memref<512x768xf32, #tpu.memory_space<vmem>>, vector<512x768xf32>
    %mul3A_35 = vector.broadcast %get3A_31 : vector<512x1xf32> to vector<512x768xf32>
    %mul3A_36 = arith.mulf %mul3A_35, %get3A_34 : vector<512x768xf32>
    %add3A_37 = arith.addf %add3A, %mul3A_36 : vector<512x768xf32>
    %swap3A = arith.constant 0 : index
    %swap3A_38 = arith.constant 0 : index
    %swap3A_39 = vector.load %arg8[%swap3A, %swap3A_38] : memref<512x768xf32, #tpu.memory_space<vmem>>, vector<512x768xf32>
    tpu.vector_store %arg8[%swap3A, %swap3A_38], %add3A_37 {strides = array<i32>} : memref<512x768xf32, #tpu.memory_space<vmem>>, vector<512x768xf32>,
    return
  }
  func.func @transform_0(%arg0: i32) -> (i32, i32) {
    %c0_i32 = arith.constant 0 : i32
    %c0_i32_0 = arith.constant 0 : i32
    return %arg0, %c0_i32 : i32, i32
  }
  func.func @transform_1(%arg0: i32) -> (i32, i32) {
    %c0_i32 = arith.constant 0 : i32
    %c0_i32_0 = arith.constant 0 : i32
    return %arg0, %c0_i32 : i32, i32
  }
  func.func @transform_2(%arg0: i32) -> (i32, i32) {
    %c0_i32 = arith.constant 0 : i32
    %c0_i32_0 = arith.constant 0 : i32
    return %arg0, %c0_i32 : i32, i32
  }
  func.func @transform_3(%arg0: i32) -> (i32, i32) {
    %c0_i32 = arith.constant 0 : i32
    %c0_i32_0 = arith.constant 0 : i32
    return %arg0, %c0_i32 : i32, i32
  }
  func.func @transform_4(%arg0: i32) -> (i32, i32) {
    %c0_i32 = arith.constant 0 : i32
    %c0_i32_0 = arith.constant 0 : i32
    return %arg0, %c0_i32 : i32, i32
  }
  func.func @transform_5(%arg0: i32) -> (i32, i32) {
    %c0_i32 = arith.constant 0 : i32
    %c0_i32_0 = arith.constant 0 : i32
    %c0_i32_1 = arith.constant 0 : i32
    return %c0_i32, %c0_i32_0 : i32, i32
  }
  func.func @transform_6(%arg0: i32) -> (i32, i32) {
    %c0_i32 = arith.constant 0 : i32
    %c0_i32_0 = arith.constant 0 : i32
    %c0_i32_1 = arith.constant 0 : i32
    return %c0_i32, %c0_i32_0 : i32, i32
  }
  func.func @transform_7(%arg0: i32) -> (i32, i32) {
    %c0_i32 = arith.constant 0 : i32
    %c0_i32_0 = arith.constant 0 : i32
    return %arg0, %c0_i32 : i32, i32
  }
}

</mosaic_0001>

<sc_bundles>
// kernel: kernel.11.cloned.1.call-start
scs
__scs_entry_jumppad:
0x0: {  	(pc) =	sbr.rel $0x88, $3  }
0x1: {  	(tag) =	ssettag $0x0;
	lr =	simm.s32 $0x1  }
0x2: {  	[smem:$0x3F9A] =	sst lr;
	_ =	strace $0xD0000000  }
0x3: {  	_ = 	snop  }
0x4: {  	_ = 	snop  }
0x5: {  	_ = 	snop  }
0x6: {  	_ = 	snop  }
0x7: {  	_ = 	snop  }
__scs_overlays_trampoline_lowered:
0x8: {  	[smem:$0x3FA9] =	sst s0  }
0x9: {  	[smem:$0x3FAA] =	sst s1  }
0xa: {  	[smem:$0x3FAB] =	sst s2  }
0xb: {  	[smem:$0x3FAC] =	sst s3  }
0xc: {  	[smem:$0x3FAD] =	sst s4  }
0xd: {  	[smem:$0x3FAE] =	sst s5  }
0xe: {  	[smem:$0x3FAF] =	sst s6  }
0xf: {  	[smem:$0x3FB0] =	sst s7  }
0x10: {  	[smem:$0x3FB1] =	sst s8  }
0x11: {  	[smem:$0x3FB2] =	sst s9;
	s0 =	simm.s32 @!p0 $0x0  }
0x12: {  	s1 =	sld [smem:$0x3F98];
	s0 =	simm.s32 @p0 $0x1  }
0x13: {  	[smem:$0x3FB3] =	sst s0;
	s0 =	simm.s32 @!p1 $0x0  }
0x14: {  	s2 =	sld [smem:$0x3F97];
	s0 =	simm.s32 @p1 $0x1  }
0x15: {  	[smem:$0x3FB4] =	sst s0;
	s0 =	simm.s32 @!p2 $0x0  }
0x16: {  	s3 =	sld [smem:$0x3FDB];
	s0 =	simm.s32 @p2 $0x1  }
0x17: {  	s4 =	simm.s32 $0x1BF5;
	[smem:$0x3FB6] =	sst s0  }
0x18: {  	s0 =	sld [smem:$0x3F99];
	_ =	swait.ge [sflag:s4], $0x0  }
0x19: {  	s7 =	sld [smem:$0x3F9A]  }
0x1a: {  	s8 =	sadd.s32 $0xFFFFE003, lr  }
0x1b: {  	s9 =	sadd.s32 $0xFFFFFEF7, lr;
	s5 =	simm.s32 $0xFFFFFFFF;
	p2 =	slt.u32 s8, $0xFFFFF086  }
0x1c: {  	p1 =	slt.u32 s9, $0xF7A;
	s5 =	simm.s32 @!p2 $0x0  }
0x1d: {  	s5 =	simm.s32 @p1 $0x1;
	p0 =	seq.s32 s7, s2  }
0x1e: {  	s7 =	smul.u32 @!p0 $0xF7A, s2;
	p2 =	seq.s32 @!p0 s5, $0x0  }
0x1f: {  	s9 =	smul.u32 $0xF7A, s1;
	s8 =	simm.s32 @!p0 $0x1BF5;
	p2 =	por !p2, p0  }
0x20: {  	[sflag:s8] =	ssyncset.s32 @!p0 $0xFFFFF086;
	s6 =	sadd.s32 @!p0 s3, s7;
	s7 =	simm.s32 @!p0 $0x108  }
0x21: {  	s3 =	sadd.s32 s3, s9;
	s6 =	sadd.s32 @!p0 $0x88, s6;
	s7 =	simm.s32 @p2 $0x1082  }
0x22: {  	[simem:s7], [sflag:s8] =	dma.local @!p0 [hbm:s6], $0xF7A  }
0x23: {  	s9 =	sor.u32 $0xD0000000, s2;
	s6 =	simm.s32 $0x108;
	_ =	swait.ge @!p0 [sflag:s8], $0x0  }
0x24: {  	s3 =	sadd.s32 $0x88, s3;
	s6 =	simm.s32 @!p1 $0x1082;
	[sflag:s4] =	ssyncset.s32 $0xFFFFF086  }
0x25: {  	[simem:s6], [sflag:s4] =	dma.local [hbm:s3], $0xF7A  }
0x26: {  	[smem:$0x3F9A] =	sst s1;
	(tag) =	ssettag s2;
	_ =	strace s9  }
0x27: {  	s1 =	sld [smem:$0x3FAA]  }
0x28: {  	s2 =	sld [smem:$0x3FAB]  }
0x29: {  	s4 =	sld [smem:$0x3FAD]  }
0x2a: {  	p0 =	seq.s32 s5, $0x0;
	s5 =	sld [smem:$0x3FAE]  }
0x2b: {  	s6 =	sld [smem:$0x3FAF]  }
0x2c: {  	s7 =	sld [smem:$0x3FB0]  }
0x2d: {  	s3 =	simm.s32 $0x108;
	s8 =	sld [smem:$0x3FB1]  }
0x2e: {  	s3 =	simm.s32 @!p0 $0x1082;
	s9 =	sld [smem:$0x3FB2]  }
0x2f: {  	lr =	sadd.s32 s0, s3;
	s0 =	sld [smem:$0x3FA9]  }
0x30: {  	s3 =	sld [smem:$0x3FAC]  }
0x31: {  	[smem:$0x3FB5] =	sst s10  }
0x32: {  	s10 =	sld [smem:$0x3FB3];
	_ =	sdelay $0x3  }
0x33: {  	p0 =	seq.s32 s10, $0x1;
	s10 =	sld [smem:$0x3FB5];
	_ =	sdelay $0x3  }
0x34: {  	[smem:$0x3FB5] =	sst s10  }
0x35: {  	s10 =	sld [smem:$0x3FB4];
	_ =	sdelay $0x3  }
0x36: {  	p1 =	seq.s32 s10, $0x1;
	s10 =	sld [smem:$0x3FB5];
	_ =	sdelay $0x3  }
0x37: {  	[smem:$0x3FB5] =	sst s10  }
0x38: {  	s10 =	sld [smem:$0x3FB6]  }
0x39: {  	_ = 	snop;
	(pc) =	sbr.ind lr, $3  }
0x3a: {  	_ = 	snop  }
0x3b: {  	_ = 	snop  }
0x3c: {  	p2 =	seq.s32 s10, $0x1;
	s10 =	sld [smem:$0x3FB5]  }
0x3d: {  	_ =	shalt  }
0x3e: {  	_ =	shalt  }
0x3f: {  	_ =	shalt  }
0x40: {  	_ =	shalt  }
0x41: {  	_ =	shalt  }
0x42: {  	_ =	shalt  }
0x43: {  	_ =	shalt  }
0x44: {  	_ =	shalt  }
0x45: {  	_ =	shalt  }
0x46: {  	_ =	shalt  }
0x47: {  	_ =	shalt  }
0x48: {  	_ =	shalt  }
0x49: {  	_ =	shalt  }
0x4a: {  	_ =	shalt  }
0x4b: {  	_ =	shalt  }
0x4c: {  	_ =	shalt  }
0x4d: {  	_ =	shalt  }
0x4e: {  	_ =	shalt  }
0x4f: {  	_ =	shalt  }
0x50: {  	_ =	shalt  }
0x51: {  	_ =	shalt  }
0x52: {  	_ =	shalt  }
0x53: {  	_ =	shalt  }
0x54: {  	_ =	shalt  }
0x55: {  	_ =	shalt  }
0x56: {  	_ =	shalt  }
0x57: {  	_ =	shalt  }
0x58: {  	_ =	shalt  }
0x59: {  	_ =	shalt  }
0x5a: {  	_ =	shalt  }
0x5b: {  	_ =	shalt  }
0x5c: {  	_ =	shalt  }
0x5d: {  	_ =	shalt  }
0x5e: {  	_ =	shalt  }
0x5f: {  	_ =	shalt  }
0x60: {  	_ =	shalt  }
0x61: {  	_ =	shalt  }
0x62: {  	_ =	shalt  }
0x63: {  	_ =	shalt  }
0x64: {  	_ =	shalt  }
0x65: {  	_ =	shalt  }
0x66: {  	_ =	shalt  }
0x67: {  	_ =	shalt  }
0x68: {  	_ =	shalt  }
0x69: {  	_ =	shalt  }
0x6a: {  	_ =	shalt  }
0x6b: {  	_ =	shalt  }
0x6c: {  	_ =	shalt  }
0x6d: {  	_ =	shalt  }
0x6e: {  	_ =	shalt  }
0x6f: {  	_ =	shalt  }
0x70: {  	_ =	shalt  }
0x71: {  	_ =	shalt  }
0x72: {  	_ =	shalt  }
0x73: {  	_ =	shalt  }
0x74: {  	_ =	shalt  }
0x75: {  	_ =	shalt  }
0x76: {  	_ =	shalt  }
0x77: {  	_ =	shalt  }
0x78: {  	_ =	shalt  }
0x79: {  	_ =	shalt  }
0x7a: {  	_ =	shalt  }
0x7b: {  	_ =	shalt  }
0x7c: {  	_ =	shalt  }
0x7d: {  	_ =	shalt  }
0x7e: {  	_ =	shalt  }
0x7f: {  	_ =	shalt  }
0x80: {  	_ =	shalt  }
0x81: {  	_ =	shalt  }
0x82: {  	_ =	shalt  }
0x83: {  	_ =	shalt  }
0x84: {  	_ =	shalt  }
0x85: {  	_ =	shalt  }
0x86: {  	_ =	shalt  }
0x87: {  	_ =	shalt  }
.Lfunc_end0:
.L_simem_size_0:
called_computation.1_lowered:
.L_overlay_start_0:
0x88: {  	s2 =	sld [smem:$0x3FD9]  }
0x89: {  	s3 =	sld [smem:$0x3FFE];
	_ =	sdelay $0x1  }
0x8a: {  	s1 =	srdreg.scid  }
0x8b: {  	s0 =	sand.u32 $0x1, s1  }
0x8c: {  	s17 =	sshll.u32 s0, $0xA;
	s2 =	sadd.s32 s3, s2  }
0x8d: {  	s2 =	sadd.s32 s2, s17  }
0x8e: {  	[smem:$0x3FC1] =	sst s2  }
0x8f: {  	_ = 	snop  }
0x90: {  	s2 =	sld [smem:$0x3FD0];
	(tm) =	ssettm $0x1  }
0x91: {  	s18 =	sld [smem:$0x3FFB];
	_ =	sdelay $0x3  }
0x92: {  	_ =	strace s18  }
0x93: {  	s3 =	sld [smem:$0x3FFC];
	_ =	sdelay $0x3  }
0x94: {  	_ =	strace s3  }
0x95: {  	s3 =	sld [smem:$0x3FFD];
	_ =	sdelay $0x3  }
0x96: {  	_ =	strace s3  }
0x97: {  	_ =	strace $0x8FFFFFFF  }
0x98: {  	s19 =	sld [smem:$0x3FDB];
	_ =	sdelay $0x1  }
0x99: {  	s4 =	simm.s32 $_scs_section_size  }
0x9a: {  	s5 =	simm.s32 $_size__tile_overlayer_lowered;
	s6 =	simm.s32 $_tile_overlayer_lowered  }
0x9b: {  	s22 =	simm.s32 $0x1BFF;
	s21 =	sshll.u32 s6, $0x1;
	s3 =	sadd.s32 s4, s19  }
0x9c: {  	s7 =	simm.s32 $0x0;
	s20 =	sshll.u32 s5, $0x1;
	s5 =	sadd.s32 s21, s3  }
0x9d: {  	[timem:s7], [sflag:s22] =	dma.local [hbm:s5], s20  }
0x9e: {  	_ =	swait.ge [sflag:s22], s20  }
0x9f: {  	s4 =	ssub.s32 $0x0, s20;
	[sflag:s22] =	ssyncset.done $0x0  }
0xa0: {  	[sflag:s22] =	ssyncadd.s32 s4;
	_ =	sdelay $0x1  }
0xa1: {  	s23 =	simm.s32 $0x1B8B  }
0xa2: {  	_ =	swait.ge [sflag:s23], $0x1  }
0xa3: {  	[sflag:s23] =	ssyncset.done $0x0  }
0xa4: {  	s25 =	simm.s32 $0x1B8E;
	s24 =	sld [smem:$0x3FFE];
	[sflag:s23] =	ssyncadd.s32 $0xFFFFFFFF  }
0xa5: {  	s26 =	simm.s32 $execute0_lowered;
	[smem:$0x3FD2] =	sst s25  }
0xa6: {  	s5 =	sshll.u32 s26, $0x1;
	_ =	strace $0x80000049;
	[dreg:$0x1] =	wrdreg $0xFFFFFFFF  }
0xa7: {  	s28 =	simm.s32 $_size_execute0_lowered;
	s3 =	sadd.s32 s3, s5;
	[dreg:$0x0] =	wrdreg $0x0  }
0xa8: {  	s5 =	sshll.u32 s28, $0x1;
	[dreg:$0x2] =	wrdreg s3  }
0xa9: {  	[dreg:$0x3] =	wrdreg s5  }
0xaa: {  	[dreg:$0x4] =	wrdreg $0xC0  }
0xab: {  	_ =	task [dreg:s7], $0x5FFFF  }
0xac: {  	[dreg:$0x1] =	wrdreg $0xFFFFFFFF  }
0xad: {  	[dreg:$0x0] =	wrdreg $0x60  }
0xae: {  	[dreg:$0x2] =	wrdreg s24  }
0xaf: {  	[dreg:$0x3] =	wrdreg s2  }
0xb0: {  	[dreg:$0x4] =	wrdreg $0x9  }
0xb1: {  	_ =	task.clear_ibuf [dreg:s7], $0x5FFFF;
	_ =	strace $0x90000049  }
0xb2: {  	s29 =	simm.s32 $0x9;
	_ =	strace $0x8000004B  }
0xb3: {  	_ =	swait.ge [sflag:s29], $0x1  }
0xb4: {  	[sflag:s29] =	ssyncadd.s32 $0xFFFFFFFF  }
0xb5: {  	_ =	strace $0x9000004B  }
0xb6: {  	_ =	sfence  }
0xb7: {  	s30 =	sld [smem:$0x0];
	_ =	sdelay $0x2  }
0xb8: {  	s31 =	sshll.u32 s1, $0xD;
	s1 =	sshrl.u32 s1, $0x2  }
0xb9: {  	s3 =	sand.u32 $0x4000, s31;
	s1 =	sadd.s32 s1, s30  }
0xba: {  	s0 =	sor.u32 s3, s0;
	s1 =	sshll.u32 s1, $0x11  }
0xbb: {  	s0 =	sor.u32 s1, s0  }
0xbc: {  	s0 =	sadd.s32 $0x8F2B, s0  }
0xbd: {  	[sflag:s0] =	ssyncadd.remote.s32 $0x1  }
0xbe: {  	_ =	sfence.sel $0xFFFF  }
0xbf: {  	[dreg:$0x0] =	wrdreg $0xFFFFFFFF;
	(pc) =	sbr.abs _section_cstart, $3  }
0xc0: {  	[dreg:$0x1] =	wrdreg $0xFFFFFFFF  }
0xc1: {  	_ =	task.clear_ibuf [dreg:s7], $0x2FFFF;
	_ =	strace $0x9FFFFFFF  }
0xc2: {  	(tm) =	ssettm $0x7FFFFFFF  }
0xc3: {  	_ =	shalt  }
tec
execute0_lowered:
.L_overlay_start_1:
0x0: {  	(tag) =	ssettag $0x1  }
0x1: {  	s0 =	srdreg.scid  }
0x2: {  	s1 =	rddreg [dreg:$0x0];
	s2 =	stileid.u32  }
0x3: {  	s4 =	rddreg [dreg:$0x1];
	s10 =	simm.s32 $0x880;
	s11 =	simm.s32 $0x1080  }
0x4: {  	s12 =	simm.s32 $0x1880;
	s13 =	simm.s32 $0x2080;
	s14 =	simm.s32 $0x2880  }
0x5: {  	s15 =	simm.s32 $0x3080;
	s16 =	simm.s32 $0x3880;
	s17 =	simm.s32 $0x4080  }
0x6: {  	s18 =	simm.s32 $0x4880;
	s19 =	simm.s32 $0x5080;
	s20 =	simm.s32 $0x5880  }
0x7: {  	s21 =	simm.s32 $0x6080;
	s22 =	simm.s32 $0x6880;
	s23 =	simm.s32 $0x7080  }
0x8: {  	s24 =	simm.s32 $0x7880;
	s25 =	simm.s32 $0x8080;
	s28 =	simm.s32 $0x9080  }
0x9: {  	s29 =	simm.s32 $0x9880;
	s30 =	simm.s32 $0xA080;
	s31 =	simm.s32 $0xA880  }
0xa: {  	s0 =	sand.u32 $0x1, s0;
	s3 =	sshll.u32 s2, $0x5;
	s2 =	simm.s32 $0x0  }
0xb: {  	s5 =	sshll.u32 s0, $0x4;
	[smem:$0x7FF] =	sst s2;
	s0 =	ssub.s32 $0x2, s0  }
0xc: {  	s5 =	sor.u32 s5, s3;
	_ =	strace $0x8000004A;
	s3 =	sadd.s32 $0xC0200, s1  }
0xd: {  	s8 =	sshrl.u32 s0, $0x1;
	s6 =	smul.u32 $0x300, s5;
	s7 =	sadd.s32 s1, s5  }
0xe: {  	s4 =	sadd.s32 s4, s5;
	s0 =	ssub.s32 s0, s8;
	s5 =	sadd.s32 $0xC0400, s1  }
0xf: {  	s8 =	simm.s32 $0x1;
	[dreg:$0x3] =	wrdreg s7;
	s6 =	sadd.s32 s6, s1  }
0x10: {  	v2 =	vlaneseq.u32;
	[dreg:$0x5] =	wrdreg s4;
	s4 =	sadd.s32 $0xC0300, s1;
	s26 =	sadd.s32 $0x200, s6  }
0x11: {  	vm0 =	vmmov $0xffff;
	v1 =	vshrl.u32 v2, $0x3;
	s7 =	simm.s32 $0x2;
	s6 =	sadd.s32 $0x60200, s6;
	[dreg:$0x4] =	wrdreg s26  }
0x12: {  	v0 =	vand.u32 $0x7, v2;
	v2 =	vor.u32 $0x8, v2;
	v1 =	vmul.u32 $0x8, v1;
	[dreg:$0x6] =	wrdreg s6;
	s6 =	smax.u32 s0, $0x1;
	s26 =	simm.s32 $0x8880  }
.LBB2_1:
0x13: {  	s9 =	rddreg [dreg:$0x3]  }
0x14: {  	[tilespmem:s2], [sflag:$0x2] =	stream.linear.gather [hbm4b:s9+s2], $0x80, $0x38;
	[tilespmem:$0x18080] =	vst v63  }
0x15: {  	_ =	swait.ge [sflag:s7], $0x80  }
0x16: {  	[sflag:s7] =	ssyncset.done $0x0  }
0x17: {  	[sflag:s7] =	ssyncadd.s32 $0xFFFFFF80  }
0x18: {  	v3 =	vld [tilespmem:$0x0];
	_ =	sdelay $0x4  }
0x19: {  	v4 =	vshrl.u32 v3, $0x3  }
0x1a: {  	v4 =	vmul.u32 $0x30, v4  }
0x1b: {  	v3 =	vand.u32 $0x7, v3  }
0x1c: {  	v3 =	vor.u32 v3, v4  }
0x1d: {  	v4 =	vperm.xlane v3, v0;
	_ =	sdelay $0x1  }
0x1e: {  	v4 =	vadd.s32 v1, v4;
	_ =	sdelay $0x3  }
0x1f: {  	s1 =	simm.s32 $0x80;
	v3 =	vperm.xlane v3, v2  }
0x20: {  	[tilespmem:s1], [sflag:$0x1] =	stream.indirect_vreg.gather [hbm4b:s3+s2], $0x80, v4, vm0, $0xb8;
	[tilespmem:$0x18080] =	vst v63  }
0x21: {  	v3 =	vadd.s32 v1, v3  }
0x22: {  	[tilespmem:s10], [sflag:$0x1] =	stream.indirect_vreg.gather [hbm4b:s4+s2], $0x80, v4, vm0, $0xb8;
	[tilespmem:$0x18080] =	vst v63  }
0x23: {  	_ = 	snop  }
0x24: {  	[tilespmem:s11], [sflag:$0x1] =	stream.indirect_vreg.gather [hbm4b:s5+s2], $0x80, v4, vm0, $0xb8;
	[tilespmem:$0x18080] =	vst v63  }
0x25: {  	_ = 	snop  }
0x26: {  	[tilespmem:s12], [sflag:$0x1] =	stream.indirect_vreg.gather [hbm4b:s3+s2], $0x80, v3, vm0, $0xb8;
	[tilespmem:$0x18080] =	vst v63  }
0x27: {  	_ = 	snop  }
0x28: {  	[tilespmem:s13], [sflag:$0x1] =	stream.indirect_vreg.gather [hbm4b:s4+s2], $0x80, v3, vm0, $0xb8;
	[tilespmem:$0x18080] =	vst v63  }
0x29: {  	_ = 	snop  }
0x2a: {  	[tilespmem:s14], [sflag:$0x1] =	stream.indirect_vreg.gather [hbm4b:s5+s2], $0x80, v3, vm0, $0xb8;
	[tilespmem:$0x18080] =	vst v63  }
0x2b: {  	v3 =	vld [tilespmem:$0x10];
	_ =	sdelay $0x4  }
0x2c: {  	v49 =	vshrl.u32 v3, $0x3  }
0x2d: {  	v4 =	vmul.u32 $0x30, v49  }
0x2e: {  	v3 =	vand.u32 $0x7, v3  }
0x2f: {  	v3 =	vor.u32 v3, v4  }
0x30: {  	v4 =	vperm.xlane v3, v0;
	_ =	sdelay $0x1  }
0x31: {  	v4 =	vadd.s32 v1, v4;
	_ =	sdelay $0x3  }
0x32: {  	v3 =	vperm.xlane v3, v2  }
0x33: {  	[tilespmem:s15], [sflag:$0x1] =	stream.indirect_vreg.gather [hbm4b:s3+s2], $0x80, v4, vm0, $0xb8;
	[tilespmem:$0x18080] =	vst v63  }
0x34: {  	v3 =	vadd.s32 v1, v3  }
0x35: {  	[tilespmem:s16], [sflag:$0x1] =	stream.indirect_vreg.gather [hbm4b:s4+s2], $0x80, v4, vm0, $0xb8;
	[tilespmem:$0x18080] =	vst v63  }
0x36: {  	_ = 	snop  }
0x37: {  	[tilespmem:s17], [sflag:$0x1] =	stream.indirect_vreg.gather [hbm4b:s5+s2], $0x80, v4, vm0, $0xb8;
	[tilespmem:$0x18080] =	vst v63  }
0x38: {  	_ = 	snop  }
0x39: {  	[tilespmem:s18], [sflag:$0x1] =	stream.indirect_vreg.gather [hbm4b:s3+s2], $0x80, v3, vm0, $0xb8;
	[tilespmem:$0x18080] =	vst v63  }
0x3a: {  	_ = 	snop  }
0x3b: {  	[tilespmem:s19], [sflag:$0x1] =	stream.indirect_vreg.gather [hbm4b:s4+s2], $0x80, v3, vm0, $0xb8;
	[tilespmem:$0x18080] =	vst v63  }
0x3c: {  	_ = 	snop  }
0x3d: {  	[tilespmem:s20], [sflag:$0x1] =	stream.indirect_vreg.gather [hbm4b:s5+s2], $0x80, v3, vm0, $0xb8;
	[tilespmem:$0x18080] =	vst v63  }
0x3e: {  	v3 =	vld [tilespmem:$0x20];
	_ =	sdelay $0x4  }
0x3f: {  	v50 =	vshrl.u32 v3, $0x3  }
0x40: {  	v4 =	vmul.u32 $0x30, v50  }
0x41: {  	v3 =	vand.u32 $0x7, v3  }
0x42: {  	v3 =	vor.u32 v3, v4  }
0x43: {  	v4 =	vperm.xlane v3, v0;
	_ =	sdelay $0x1  }
0x44: {  	v4 =	vadd.s32 v1, v4;
	_ =	sdelay $0x3  }
0x45: {  	v3 =	vperm.xlane v3, v2  }
0x46: {  	[tilespmem:s21], [sflag:$0x1] =	stream.indirect_vreg.gather [hbm4b:s3+s2], $0x80, v4, vm0, $0xb8;
	[tilespmem:$0x18080] =	vst v63  }
0x47: {  	v3 =	vadd.s32 v1, v3  }
0x48: {  	[tilespmem:s22], [sflag:$0x1] =	stream.indirect_vreg.gather [hbm4b:s4+s2], $0x80, v4, vm0, $0xb8;
	[tilespmem:$0x18080] =	vst v63  }
0x49: {  	_ = 	snop  }
0x4a: {  	[tilespmem:s23], [sflag:$0x1] =	stream.indirect_vreg.gather [hbm4b:s5+s2], $0x80, v4, vm0, $0xb8;
	[tilespmem:$0x18080] =	vst v63  }
0x4b: {  	_ = 	snop  }
0x4c: {  	[tilespmem:s24], [sflag:$0x1] =	stream.indirect_vreg.gather [hbm4b:s3+s2], $0x80, v3, vm0, $0xb8;
	[tilespmem:$0x18080] =	vst v63  }
0x4d: {  	_ = 	snop  }
0x4e: {  	[tilespmem:s25], [sflag:$0x1] =	stream.indirect_vreg.gather [hbm4b:s4+s2], $0x80, v3, vm0, $0xb8;
	[tilespmem:$0x18080] =	vst v63  }
0x4f: {  	_ = 	snop  }
0x50: {  	[tilespmem:s26], [sflag:$0x1] =	stream.indirect_vreg.gather [hbm4b:s5+s2], $0x80, v3, vm0, $0xb8;
	[tilespmem:$0x18080] =	vst v63  }
0x51: {  	v3 =	vld [tilespmem:$0x30];
	_ =	sdelay $0x4  }
0x52: {  	v51 =	vshrl.u32 v3, $0x3  }
0x53: {  	v4 =	vmul.u32 $0x30, v51  }
0x54: {  	v3 =	vand.u32 $0x7, v3  }
0x55: {  	v3 =	vor.u32 v3, v4  }
0x56: {  	v4 =	vperm.xlane v3, v0;
	_ =	sdelay $0x1  }
0x57: {  	v4 =	vadd.s32 v1, v4;
	_ =	sdelay $0x3  }
0x58: {  	v3 =	vperm.xlane v3, v2  }
0x59: {  	[tilespmem:s28], [sflag:$0x1] =	stream.indirect_vreg.gather [hbm4b:s3+s2], $0x80, v4, vm0, $0xb8;
	[tilespmem:$0x18080] =	vst v63  }
0x5a: {  	v3 =	vadd.s32 v1, v3  }
0x5b: {  	[tilespmem:s29], [sflag:$0x1] =	stream.indirect_vreg.gather [hbm4b:s4+s2], $0x80, v4, vm0, $0xb8;
	[tilespmem:$0x18080] =	vst v63  }
0x5c: {  	_ = 	snop  }
0x5d: {  	[tilespmem:s30], [sflag:$0x1] =	stream.indirect_vreg.gather [hbm4b:s5+s2], $0x80, v4, vm0, $0xb8;
	[tilespmem:$0x18080] =	vst v63  }
0x5e: {  	_ = 	snop  }
0x5f: {  	[tilespmem:s31], [sflag:$0x1] =	stream.indirect_vreg.gather [hbm4b:s3+s2], $0x80, v3, vm0, $0xb8;
	[tilespmem:$0x18080] =	vst v63  }
0x60: {  	s1 =	simm.s32 $0xB080  }
0x61: {  	[tilespmem:s1], [sflag:$0x1] =	stream.indirect_vreg.gather [hbm4b:s4+s2], $0x80, v3, vm0, $0xb8;
	[tilespmem:$0x18080] =	vst v63  }
0x62: {  	s0 =	simm.s32 $0xB880  }
0x63: {  	[tilespmem:s0], [sflag:$0x1] =	stream.indirect_vreg.gather [hbm4b:s5+s2], $0x80, v3, vm0, $0xb8;
	[tilespmem:$0x18080] =	vst v63  }
0x64: {  	v3 =	vld [tilespmem:$0x40];
	_ =	sdelay $0x4  }
0x65: {  	v52 =	vshrl.u32 v3, $0x3  }
0x66: {  	v4 =	vmul.u32 $0x30, v52  }
0x67: {  	v3 =	vand.u32 $0x7, v3  }
0x68: {  	v3 =	vor.u32 v3, v4  }
0x69: {  	v4 =	vperm.xlane v3, v0;
	_ =	sdelay $0x1  }
0x6a: {  	v4 =	vadd.s32 v1, v4;
	_ =	sdelay $0x3  }
0x6b: {  	s9 =	simm.s32 $0xC080;
	v3 =	vperm.xlane v3, v2  }
0x6c: {  	[tilespmem:s9], [sflag:$0x1] =	stream.indirect_vreg.gather [hbm4b:s3+s2], $0x80, v4, vm0, $0xb8;
	[tilespmem:$0x18080] =	vst v63  }
0x6d: {  	v3 =	vadd.s32 v1, v3;
	s9 =	simm.s32 $0xC880  }
0x6e: {  	[tilespmem:s9], [sflag:$0x1] =	stream.indirect_vreg.gather [hbm4b:s4+s2], $0x80, v4, vm0, $0xb8;
	[tilespmem:$0x18080] =	vst v63  }
0x6f: {  	s9 =	simm.s32 $0xD080  }
0x70: {  	[tilespmem:s9], [sflag:$0x1] =	stream.indirect_vreg.gather [hbm4b:s5+s2], $0x80, v4, vm0, $0xb8;
	[tilespmem:$0x18080] =	vst v63  }
0x71: {  	s9 =	simm.s32 $0xD880  }
0x72: {  	[tilespmem:s9], [sflag:$0x1] =	stream.indirect_vreg.gather [hbm4b:s3+s2], $0x80, v3, vm0, $0xb8;
	[tilespmem:$0x18080] =	vst v63  }
0x73: {  	s9 =	simm.s32 $0xE080  }
0x74: {  	[tilespmem:s9], [sflag:$0x1] =	stream.indirect_vreg.gather [hbm4b:s4+s2], $0x80, v3, vm0, $0xb8;
	[tilespmem:$0x18080] =	vst v63  }
0x75: {  	s9 =	simm.s32 $0xE880  }
0x76: {  	[tilespmem:s9], [sflag:$0x1] =	stream.indirect_vreg.gather [hbm4b:s5+s2], $0x80, v3, vm0, $0xb8;
	[tilespmem:$0x18080] =	vst v63  }
0x77: {  	v3 =	vld [tilespmem:$0x50];
	_ =	sdelay $0x4  }
0x78: {  	v53 =	vshrl.u32 v3, $0x3  }
0x79: {  	v4 =	vmul.u32 $0x30, v53  }
0x7a: {  	v3 =	vand.u32 $0x7, v3  }
0x7b: {  	v3 =	vor.u32 v3, v4  }
0x7c: {  	v4 =	vperm.xlane v3, v0;
	_ =	sdelay $0x1  }
0x7d: {  	v4 =	vadd.s32 v1, v4;
	_ =	sdelay $0x3  }
0x7e: {  	s9 =	simm.s32 $0xF080;
	v3 =	vperm.xlane v3, v2  }
0x7f: {  	[tilespmem:s9], [sflag:$0x1] =	stream.indirect_vreg.gather [hbm4b:s3+s2], $0x80, v4, vm0, $0xb8;
	[tilespmem:$0x18080] =	vst v63  }
0x80: {  	v3 =	vadd.s32 v1, v3;
	s9 =	simm.s32 $0xF880  }
0x81: {  	[tilespmem:s9], [sflag:$0x1] =	stream.indirect_vreg.gather [hbm4b:s4+s2], $0x80, v4, vm0, $0xb8;
	[tilespmem:$0x18080] =	vst v63  }
0x82: {  	s9 =	simm.s32 $0x10080  }
0x83: {  	[tilespmem:s9], [sflag:$0x1] =	stream.indirect_vreg.gather [hbm4b:s5+s2], $0x80, v4, vm0, $0xb8;
	[tilespmem:$0x18080] =	vst v63  }
0x84: {  	s9 =	simm.s32 $0x10880  }
0x85: {  	[tilespmem:s9], [sflag:$0x1] =	stream.indirect_vreg.gather [hbm4b:s3+s2], $0x80, v3, vm0, $0xb8;
	[tilespmem:$0x18080] =	vst v63  }
0x86: {  	s9 =	simm.s32 $0x11080  }
0x87: {  	[tilespmem:s9], [sflag:$0x1] =	stream.indirect_vreg.gather [hbm4b:s4+s2], $0x80, v3, vm0, $0xb8;
	[tilespmem:$0x18080] =	vst v63  }
0x88: {  	s9 =	simm.s32 $0x11880  }
0x89: {  	[tilespmem:s9], [sflag:$0x1] =	stream.indirect_vreg.gather [hbm4b:s5+s2], $0x80, v3, vm0, $0xb8;
	[tilespmem:$0x18080] =	vst v63  }
0x8a: {  	v3 =	vld [tilespmem:$0x60];
	_ =	sdelay $0x4  }
0x8b: {  	v54 =	vshrl.u32 v3, $0x3  }
0x8c: {  	v4 =	vmul.u32 $0x30, v54  }
0x8d: {  	v3 =	vand.u32 $0x7, v3  }
0x8e: {  	v3 =	vor.u32 v3, v4  }
0x8f: {  	v4 =	vperm.xlane v3, v0;
	_ =	sdelay $0x1  }
0x90: {  	v4 =	vadd.s32 v1, v4;
	_ =	sdelay $0x3  }
0x91: {  	s9 =	simm.s32 $0x12080;
	v3 =	vperm.xlane v3, v2  }
0x92: {  	[tilespmem:s9], [sflag:$0x1] =	stream.indirect_vreg.gather [hbm4b:s3+s2], $0x80, v4, vm0, $0xb8;
	[tilespmem:$0x18080] =	vst v63  }
0x93: {  	v3 =	vadd.s32 v1, v3;
	s9 =	simm.s32 $0x12880  }
0x94: {  	[tilespmem:s9], [sflag:$0x1] =	stream.indirect_vreg.gather [hbm4b:s4+s2], $0x80, v4, vm0, $0xb8;
	[tilespmem:$0x18080] =	vst v63  }
0x95: {  	s9 =	simm.s32 $0x13080  }
0x96: {  	[tilespmem:s9], [sflag:$0x1] =	stream.indirect_vreg.gather [hbm4b:s5+s2], $0x80, v4, vm0, $0xb8;
	[tilespmem:$0x18080] =	vst v63  }
0x97: {  	s9 =	simm.s32 $0x13880  }
0x98: {  	[tilespmem:s9], [sflag:$0x1] =	stream.indirect_vreg.gather [hbm4b:s3+s2], $0x80, v3, vm0, $0xb8;
	[tilespmem:$0x18080] =	vst v63  }
0x99: {  	s9 =	simm.s32 $0x14080  }
0x9a: {  	[tilespmem:s9], [sflag:$0x1] =	stream.indirect_vreg.gather [hbm4b:s4+s2], $0x80, v3, vm0, $0xb8;
	[tilespmem:$0x18080] =	vst v63  }
0x9b: {  	s9 =	simm.s32 $0x14880  }
0x9c: {  	[tilespmem:s9], [sflag:$0x1] =	stream.indirect_vreg.gather [hbm4b:s5+s2], $0x80, v3, vm0, $0xb8;
	[tilespmem:$0x18080] =	vst v63  }
0x9d: {  	v3 =	vld [tilespmem:$0x70];
	_ =	sdelay $0x4  }
0x9e: {  	v55 =	vshrl.u32 v3, $0x3  }
0x9f: {  	v4 =	vmul.u32 $0x30, v55  }
0xa0: {  	v3 =	vand.u32 $0x7, v3  }
0xa1: {  	v3 =	vor.u32 v3, v4  }
0xa2: {  	v4 =	vperm.xlane v3, v0;
	_ =	sdelay $0x1  }
0xa3: {  	v4 =	vadd.s32 v1, v4;
	_ =	sdelay $0x3  }
0xa4: {  	s9 =	simm.s32 $0x15080;
	v3 =	vperm.xlane v3, v2  }
0xa5: {  	[tilespmem:s9], [sflag:$0x1] =	stream.indirect_vreg.gather [hbm4b:s3+s2], $0x80, v4, vm0, $0xb8;
	[tilespmem:$0x18080] =	vst v63  }
0xa6: {  	v3 =	vadd.s32 v1, v3;
	s9 =	simm.s32 $0x15880  }
0xa7: {  	[tilespmem:s9], [sflag:$0x1] =	stream.indirect_vreg.gather [hbm4b:s4+s2], $0x80, v4, vm0, $0xb8;
	[tilespmem:$0x18080] =	vst v63  }
0xa8: {  	s9 =	simm.s32 $0x16080  }
0xa9: {  	[tilespmem:s9], [sflag:$0x1] =	stream.indirect_vreg.gather [hbm4b:s5+s2], $0x80, v4, vm0, $0xb8;
	[tilespmem:$0x18080] =	vst v63  }
0xaa: {  	s9 =	simm.s32 $0x16880  }
0xab: {  	[tilespmem:s9], [sflag:$0x1] =	stream.indirect_vreg.gather [hbm4b:s3+s2], $0x80, v3, vm0, $0xb8;
	[tilespmem:$0x18080] =	vst v63  }
0xac: {  	s9 =	simm.s32 $0x17080  }
0xad: {  	[tilespmem:s9], [sflag:$0x1] =	stream.indirect_vreg.gather [hbm4b:s4+s2], $0x80, v3, vm0, $0xb8;
	[tilespmem:$0x18080] =	vst v63  }
0xae: {  	s9 =	simm.s32 $0x17880  }
0xaf: {  	[tilespmem:s9], [sflag:$0x1] =	stream.indirect_vreg.gather [hbm4b:s5+s2], $0x80, v3, vm0, $0xb8;
	[tilespmem:$0x18080] =	vst v63  }
0xb0: {  	_ =	swait.ge [sflag:s8], $0x18000  }
0xb1: {  	[sflag:s8] =	ssyncset.done $0x0  }
0xb2: {  	s0 =	simm.s32 $0x80;
	s9 =	rddreg [dreg:$0x4];
	[sflag:s8] =	ssyncadd.s32 $0xFFFE8000  }
0xb3: {  	[hbm4b:s9+s2] =	stream.linear.scatter [tilespmem:s0], [sflag:$0x2], $0x18000, $0x38;
	[tilespmem:$0x18080] =	vst v63  }
0xb4: {  	_ =	swait.ge [sflag:s7], $0x18000  }
0xb5: {  	[sflag:s7] =	ssyncset.done $0x0  }
0xb6: {  	s9 =	rddreg [dreg:$0x5];
	[sflag:s7] =	ssyncadd.s32 $0xFFFE8000  }
0xb7: {  	[tilespmem:s2], [sflag:$0x2] =	stream.linear.gather [hbm4b:s9+s2], $0x80, $0x38;
	[tilespmem:$0x18080] =	vst v63  }
0xb8: {  	_ =	swait.ge [sflag:s7], $0x80  }
0xb9: {  	[sflag:s7] =	ssyncset.done $0x0  }
0xba: {  	[sflag:s7] =	ssyncadd.s32 $0xFFFFFF80  }
0xbb: {  	v3 =	vld [tilespmem:$0x0];
	_ =	sdelay $0x4  }
0xbc: {  	v56 =	vshrl.u32 v3, $0x3  }
0xbd: {  	v4 =	vmul.u32 $0x30, v56  }
0xbe: {  	v3 =	vand.u32 $0x7, v3  }
0xbf: {  	v3 =	vor.u32 v3, v4  }
0xc0: {  	v4 =	vperm.xlane v3, v0;
	_ =	sdelay $0x1  }
0xc1: {  	v4 =	vadd.s32 v1, v4;
	_ =	sdelay $0x3  }
0xc2: {  	v3 =	vperm.xlane v3, v2  }
0xc3: {  	[tilespmem:s0], [sflag:$0x1] =	stream.indirect_vreg.gather [hbm4b:s3+s2], $0x80, v4, vm0, $0xb8;
	[tilespmem:$0x18080] =	vst v63  }
0xc4: {  	v3 =	vadd.s32 v1, v3  }
0xc5: {  	[tilespmem:s10], [sflag:$0x1] =	stream.indirect_vreg.gather [hbm4b:s4+s2], $0x80, v4, vm0, $0xb8;
	[tilespmem:$0x18080] =	vst v63  }
0xc6: {  	_ = 	snop  }
0xc7: {  	[tilespmem:s11], [sflag:$0x1] =	stream.indirect_vreg.gather [hbm4b:s5+s2], $0x80, v4, vm0, $0xb8;
	[tilespmem:$0x18080] =	vst v63  }
0xc8: {  	_ = 	snop  }
0xc9: {  	[tilespmem:s12], [sflag:$0x1] =	stream.indirect_vreg.gather [hbm4b:s3+s2], $0x80, v3, vm0, $0xb8;
	[tilespmem:$0x18080] =	vst v63  }
0xca: {  	_ = 	snop  }
0xcb: {  	[tilespmem:s13], [sflag:$0x1] =	stream.indirect_vreg.gather [hbm4b:s4+s2], $0x80, v3, vm0, $0xb8;
	[tilespmem:$0x18080] =	vst v63  }
0xcc: {  	_ = 	snop  }
0xcd: {  	[tilespmem:s14], [sflag:$0x1] =	stream.indirect_vreg.gather [hbm4b:s5+s2], $0x80, v3, vm0, $0xb8;
	[tilespmem:$0x18080] =	vst v63  }
0xce: {  	v3 =	vld [tilespmem:$0x10];
	_ =	sdelay $0x4  }
0xcf: {  	v57 =	vshrl.u32 v3, $0x3  }
0xd0: {  	v4 =	vmul.u32 $0x30, v57  }
0xd1: {  	v3 =	vand.u32 $0x7, v3  }
0xd2: {  	v3 =	vor.u32 v3, v4  }
0xd3: {  	v4 =	vperm.xlane v3, v0;
	_ =	sdelay $0x1  }
0xd4: {  	v4 =	vadd.s32 v1, v4;
	_ =	sdelay $0x3  }
0xd5: {  	v3 =	vperm.xlane v3, v2  }
0xd6: {  	[tilespmem:s15], [sflag:$0x1] =	stream.indirect_vreg.gather [hbm4b:s3+s2], $0x80, v4, vm0, $0xb8;
	[tilespmem:$0x18080] =	vst v63  }
0xd7: {  	v3 =	vadd.s32 v1, v3  }
0xd8: {  	[tilespmem:s16], [sflag:$0x1] =	stream.indirect_vreg.gather [hbm4b:s4+s2], $0x80, v4, vm0, $0xb8;
	[tilespmem:$0x18080] =	vst v63  }
0xd9: {  	_ = 	snop  }
0xda: {  	[tilespmem:s17], [sflag:$0x1] =	stream.indirect_vreg.gather [hbm4b:s5+s2], $0x80, v4, vm0, $0xb8;
	[tilespmem:$0x18080] =	vst v63  }
0xdb: {  	_ = 	snop  }
0xdc: {  	[tilespmem:s18], [sflag:$0x1] =	stream.indirect_vreg.gather [hbm4b:s3+s2], $0x80, v3, vm0, $0xb8;
	[tilespmem:$0x18080] =	vst v63  }
0xdd: {  	_ = 	snop  }
0xde: {  	[tilespmem:s19], [sflag:$0x1] =	stream.indirect_vreg.gather [hbm4b:s4+s2], $0x80, v3, vm0, $0xb8;
	[tilespmem:$0x18080] =	vst v63  }
0xdf: {  	_ = 	snop  }
0xe0: {  	[tilespmem:s20], [sflag:$0x1] =	stream.indirect_vreg.gather [hbm4b:s5+s2], $0x80, v3, vm0, $0xb8;
	[tilespmem:$0x18080] =	vst v63  }
0xe1: {  	v3 =	vld [tilespmem:$0x20];
	_ =	sdelay $0x4  }
0xe2: {  	v58 =	vshrl.u32 v3, $0x3  }
0xe3: {  	v4 =	vmul.u32 $0x30, v58  }
0xe4: {  	v3 =	vand.u32 $0x7, v3  }
0xe5: {  	v3 =	vor.u32 v3, v4  }
0xe6: {  	v4 =	vperm.xlane v3, v0;
	_ =	sdelay $0x1  }
0xe7: {  	v4 =	vadd.s32 v1, v4;
	_ =	sdelay $0x3  }
0xe8: {  	v3 =	vperm.xlane v3, v2  }
0xe9: {  	[tilespmem:s21], [sflag:$0x1] =	stream.indirect_vreg.gather [hbm4b:s3+s2], $0x80, v4, vm0, $0xb8;
	[tilespmem:$0x18080] =	vst v63  }
0xea: {  	v3 =	vadd.s32 v1, v3  }
0xeb: {  	[tilespmem:s22], [sflag:$0x1] =	stream.indirect_vreg.gather [hbm4b:s4+s2], $0x80, v4, vm0, $0xb8;
	[tilespmem:$0x18080] =	vst v63  }
0xec: {  	_ = 	snop  }
0xed: {  	[tilespmem:s23], [sflag:$0x1] =	stream.indirect_vreg.gather [hbm4b:s5+s2], $0x80, v4, vm0, $0xb8;
	[tilespmem:$0x18080] =	vst v63  }
0xee: {  	_ = 	snop  }
0xef: {  	[tilespmem:s24], [sflag:$0x1] =	stream.indirect_vreg.gather [hbm4b:s3+s2], $0x80, v3, vm0, $0xb8;
	[tilespmem:$0x18080] =	vst v63  }
0xf0: {  	_ = 	snop  }
0xf1: {  	[tilespmem:s25], [sflag:$0x1] =	stream.indirect_vreg.gather [hbm4b:s4+s2], $0x80, v3, vm0, $0xb8;
	[tilespmem:$0x18080] =	vst v63  }
0xf2: {  	_ = 	snop  }
0xf3: {  	[tilespmem:s26], [sflag:$0x1] =	stream.indirect_vreg.gather [hbm4b:s5+s2], $0x80, v3, vm0, $0xb8;
	[tilespmem:$0x18080] =	vst v63  }
0xf4: {  	v3 =	vld [tilespmem:$0x30];
	_ =	sdelay $0x4  }
0xf5: {  	v59 =	vshrl.u32 v3, $0x3  }
0xf6: {  	v4 =	vmul.u32 $0x30, v59  }
0xf7: {  	v3 =	vand.u32 $0x7, v3  }
0xf8: {  	v3 =	vor.u32 v3, v4  }
0xf9: {  	v4 =	vperm.xlane v3, v0;
	_ =	sdelay $0x1  }
0xfa: {  	v4 =	vadd.s32 v1, v4;
	_ =	sdelay $0x3  }
0xfb: {  	v3 =	vperm.xlane v3, v2  }
0xfc: {  	[tilespmem:s28], [sflag:$0x1] =	stream.indirect_vreg.gather [hbm4b:s3+s2], $0x80, v4, vm0, $0xb8;
	[tilespmem:$0x18080] =	vst v63  }
0xfd: {  	v3 =	vadd.s32 v1, v3  }
0xfe: {  	[tilespmem:s29], [sflag:$0x1] =	stream.indirect_vreg.gather [hbm4b:s4+s2], $0x80, v4, vm0, $0xb8;
	[tilespmem:$0x18080] =	vst v63  }
0xff: {  	_ = 	snop  }
0x100: {  	[tilespmem:s30], [sflag:$0x1] =	stream.indirect_vreg.gather [hbm4b:s5+s2], $0x80, v4, vm0, $0xb8;
	[tilespmem:$0x18080] =	vst v63  }
0x101: {  	_ = 	snop  }
0x102: {  	[tilespmem:s31], [sflag:$0x1] =	stream.indirect_vreg.gather [hbm4b:s3+s2], $0x80, v3, vm0, $0xb8;
	[tilespmem:$0x18080] =	vst v63  }
0x103: {  	_ = 	snop  }
0x104: {  	[tilespmem:s1], [sflag:$0x1] =	stream.indirect_vreg.gather [hbm4b:s4+s2], $0x80, v3, vm0, $0xb8;
	[tilespmem:$0x18080] =	vst v63  }
0x105: {  	s9 =	simm.s32 $0xB880  }
0x106: {  	[tilespmem:s9], [sflag:$0x1] =	stream.indirect_vreg.gather [hbm4b:s5+s2], $0x80, v3, vm0, $0xb8;
	[tilespmem:$0x18080] =	vst v63  }
0x107: {  	v3 =	vld [tilespmem:$0x40];
	_ =	sdelay $0x4  }
0x108: {  	v60 =	vshrl.u32 v3, $0x3  }
0x109: {  	v4 =	vmul.u32 $0x30, v60  }
0x10a: {  	v3 =	vand.u32 $0x7, v3  }
0x10b: {  	v3 =	vor.u32 v3, v4  }
0x10c: {  	v4 =	vperm.xlane v3, v0;
	_ =	sdelay $0x1  }
0x10d: {  	v4 =	vadd.s32 v1, v4;
	_ =	sdelay $0x3  }
0x10e: {  	s1 =	simm.s32 $0xC080;
	v3 =	vperm.xlane v3, v2  }
0x10f: {  	[tilespmem:s1], [sflag:$0x1] =	stream.indirect_vreg.gather [hbm4b:s3+s2], $0x80, v4, vm0, $0xb8;
	[tilespmem:$0x18080] =	vst v63  }
0x110: {  	s9 =	simm.s32 $0xC880;
	v3 =	vadd.s32 v1, v3  }
0x111: {  	[tilespmem:s9], [sflag:$0x1] =	stream.indirect_vreg.gather [hbm4b:s4+s2], $0x80, v4, vm0, $0xb8;
	[tilespmem:$0x18080] =	vst v63  }
0x112: {  	s1 =	simm.s32 $0xD080  }
0x113: {  	[tilespmem:s1], [sflag:$0x1] =	stream.indirect_vreg.gather [hbm4b:s5+s2], $0x80, v4, vm0, $0xb8;
	[tilespmem:$0x18080] =	vst v63  }
0x114: {  	s9 =	simm.s32 $0xD880  }
0x115: {  	[tilespmem:s9], [sflag:$0x1] =	stream.indirect_vreg.gather [hbm4b:s3+s2], $0x80, v3, vm0, $0xb8;
	[tilespmem:$0x18080] =	vst v63  }
0x116: {  	s1 =	simm.s32 $0xE080  }
0x117: {  	[tilespmem:s1], [sflag:$0x1] =	stream.indirect_vreg.gather [hbm4b:s4+s2], $0x80, v3, vm0, $0xb8;
	[tilespmem:$0x18080] =	vst v63  }
0x118: {  	s9 =	simm.s32 $0xE880  }
0x119: {  	[tilespmem:s9], [sflag:$0x1] =	stream.indirect_vreg.gather [hbm4b:s5+s2], $0x80, v3, vm0, $0xb8;
	[tilespmem:$0x18080] =	vst v63  }
0x11a: {  	v3 =	vld [tilespmem:$0x50];
	_ =	sdelay $0x4  }
0x11b: {  	v61 =	vshrl.u32 v3, $0x3  }
0x11c: {  	v4 =	vmul.u32 $0x30, v61  }
0x11d: {  	v3 =	vand.u32 $0x7, v3  }
0x11e: {  	v3 =	vor.u32 v3, v4  }
0x11f: {  	v4 =	vperm.xlane v3, v0;
	_ =	sdelay $0x1  }
0x120: {  	v4 =	vadd.s32 v1, v4;
	_ =	sdelay $0x3  }
0x121: {  	s1 =	simm.s32 $0xF080;
	v3 =	vperm.xlane v3, v2  }
0x122: {  	[tilespmem:s1], [sflag:$0x1] =	stream.indirect_vreg.gather [hbm4b:s3+s2], $0x80, v4, vm0, $0xb8;
	[tilespmem:$0x18080] =	vst v63  }
0x123: {  	s9 =	simm.s32 $0xF880;
	v3 =	vadd.s32 v1, v3  }
0x124: {  	[tilespmem:s9], [sflag:$0x1] =	stream.indirect_vreg.gather [hbm4b:s4+s2], $0x80, v4, vm0, $0xb8;
	[tilespmem:$0x18080] =	vst v63  }
0x125: {  	s1 =	simm.s32 $0x10080  }
0x126: {  	[tilespmem:s1], [sflag:$0x1] =	stream.indirect_vreg.gather [hbm4b:s5+s2], $0x80, v4, vm0, $0xb8;
	[tilespmem:$0x18080] =	vst v63  }
0x127: {  	s9 =	simm.s32 $0x10880  }
0x128: {  	[tilespmem:s9], [sflag:$0x1] =	stream.indirect_vreg.gather [hbm4b:s3+s2], $0x80, v3, vm0, $0xb8;
	[tilespmem:$0x18080] =	vst v63  }
0x129: {  	s1 =	simm.s32 $0x11080  }
0x12a: {  	[tilespmem:s1], [sflag:$0x1] =	stream.indirect_vreg.gather [hbm4b:s4+s2], $0x80, v3, vm0, $0xb8;
	[tilespmem:$0x18080] =	vst v63  }
0x12b: {  	s9 =	simm.s32 $0x11880  }
0x12c: {  	[tilespmem:s9], [sflag:$0x1] =	stream.indirect_vreg.gather [hbm4b:s5+s2], $0x80, v3, vm0, $0xb8;
	[tilespmem:$0x18080] =	vst v63  }
0x12d: {  	v3 =	vld [tilespmem:$0x60];
	_ =	sdelay $0x4  }
0x12e: {  	v62 =	vshrl.u32 v3, $0x3  }
0x12f: {  	v4 =	vmul.u32 $0x30, v62  }
0x130: {  	v3 =	vand.u32 $0x7, v3  }
0x131: {  	v3 =	vor.u32 v3, v4  }
0x132: {  	v4 =	vperm.xlane v3, v0;
	_ =	sdelay $0x1  }
0x133: {  	v4 =	vadd.s32 v1, v4;
	_ =	sdelay $0x3  }
0x134: {  	s1 =	simm.s32 $0x12080;
	v3 =	vperm.xlane v3, v2  }
0x135: {  	[tilespmem:s1], [sflag:$0x1] =	stream.indirect_vreg.gather [hbm4b:s3+s2], $0x80, v4, vm0, $0xb8;
	[tilespmem:$0x18080] =	vst v63  }
0x136: {  	s9 =	simm.s32 $0x12880;
	v3 =	vadd.s32 v1, v3  }
0x137: {  	[tilespmem:s9], [sflag:$0x1] =	stream.indirect_vreg.gather [hbm4b:s4+s2], $0x80, v4, vm0, $0xb8;
	[tilespmem:$0x18080] =	vst v63  }
0x138: {  	s1 =	simm.s32 $0x13080  }
0x139: {  	[tilespmem:s1], [sflag:$0x1] =	stream.indirect_vreg.gather [hbm4b:s5+s2], $0x80, v4, vm0, $0xb8;
	[tilespmem:$0x18080] =	vst v63  }
0x13a: {  	s9 =	simm.s32 $0x13880  }
0x13b: {  	[tilespmem:s9], [sflag:$0x1] =	stream.indirect_vreg.gather [hbm4b:s3+s2], $0x80, v3, vm0, $0xb8;
	[tilespmem:$0x18080] =	vst v63  }
0x13c: {  	s1 =	simm.s32 $0x14080  }
0x13d: {  	[tilespmem:s1], [sflag:$0x1] =	stream.indirect_vreg.gather [hbm4b:s4+s2], $0x80, v3, vm0, $0xb8;
	[tilespmem:$0x18080] =	vst v63  }
0x13e: {  	s9 =	simm.s32 $0x14880  }
0x13f: {  	[tilespmem:s9], [sflag:$0x1] =	stream.indirect_vreg.gather [hbm4b:s5+s2], $0x80, v3, vm0, $0xb8;
	[tilespmem:$0x18080] =	vst v63  }
0x140: {  	v3 =	vld [tilespmem:$0x70];
	_ =	sdelay $0x4  }
0x141: {  	v63 =	vshrl.u32 v3, $0x3  }
0x142: {  	v4 =	vmul.u32 $0x30, v63  }
0x143: {  	v3 =	vand.u32 $0x7, v3  }
0x144: {  	v3 =	vor.u32 v3, v4  }
0x145: {  	v4 =	vperm.xlane v3, v0;
	_ =	sdelay $0x1  }
0x146: {  	v4 =	vadd.s32 v1, v4;
	_ =	sdelay $0x3  }
0x147: {  	s1 =	simm.s32 $0x15080;
	v3 =	vperm.xlane v3, v2  }
0x148: {  	[tilespmem:s1], [sflag:$0x1] =	stream.indirect_vreg.gather [hbm4b:s3+s2], $0x80, v4, vm0, $0xb8;
	[tilespmem:$0x18080] =	vst v63  }
0x149: {  	s9 =	simm.s32 $0x15880;
	v3 =	vadd.s32 v1, v3  }
0x14a: {  	[tilespmem:s9], [sflag:$0x1] =	stream.indirect_vreg.gather [hbm4b:s4+s2], $0x80, v4, vm0, $0xb8;
	[tilespmem:$0x18080] =	vst v63  }
0x14b: {  	s1 =	simm.s32 $0x16080  }
0x14c: {  	[tilespmem:s1], [sflag:$0x1] =	stream.indirect_vreg.gather [hbm4b:s5+s2], $0x80, v4, vm0, $0xb8;
	[tilespmem:$0x18080] =	vst v63  }
0x14d: {  	s9 =	simm.s32 $0x16880  }
0x14e: {  	[tilespmem:s9], [sflag:$0x1] =	stream.indirect_vreg.gather [hbm4b:s3+s2], $0x80, v3, vm0, $0xb8;
	[tilespmem:$0x18080] =	vst v63  }
0x14f: {  	s1 =	simm.s32 $0x17080  }
0x150: {  	[tilespmem:s1], [sflag:$0x1] =	stream.indirect_vreg.gather [hbm4b:s4+s2], $0x80, v3, vm0, $0xb8;
	[tilespmem:$0x18080] =	vst v63  }
0x151: {  	s9 =	simm.s32 $0x17880  }
0x152: {  	[tilespmem:s9], [sflag:$0x1] =	stream.indirect_vreg.gather [hbm4b:s5+s2], $0x80, v3, vm0, $0xb8;
	[tilespmem:$0x18080] =	vst v63  }
0x153: {  	_ =	swait.ge [sflag:s8], $0x18000  }
0x154: {  	p0 =	sne.s32 s6, $0x1;
	s1 =	simm.s32 $0x80;
	[sflag:s8] =	ssyncset.done $0x0  }
.Ltmp0:
0x155: {  	s0 =	rddreg [dreg:$0x6];
	[sflag:s8] =	ssyncadd.s32 $0xFFFE8000;
	(pc) =	sbr.rel @p0 .LBB2_1-.Ltmp0, $4  }
0x156: {  	[hbm4b:s0+s2] =	stream.linear.scatter [tilespmem:s1], [sflag:$0x2], $0x18000, $0x38;
	[tilespmem:$0x18080] =	vst v63  }
0x157: {  	_ =	swait.ge [sflag:s7], $0x18000  }
0x158: {  	[sflag:s7] =	ssyncset.done $0x0  }
0x159: {  	s6 =	sadd.s32 $0xFFFFFFFF, s6;
	[sflag:s7] =	ssyncadd.s32 $0xFFFE8000  }
0x15a: {  	_ =	sfence.sel $0x180000  }
0x15b: {  	[bflag:$0x0] =	sbarrier.arrive $0xFFFF  }
0x15c: {  	_ =	strace $0x9000004A  }
0x15d: {  	s0 =	stileid.u32;
	[bflag:$0x2] =	sbarrier.arrive $0xFFFF  }
0x15e: {  	p0 =	sne.s32 s0, $0x0;
	s0 =	rddreg [dreg:$0x2]  }
0x15f: {  	s0 =	sadd.s32 @!p0 $0x100000, s0  }
0x160: {  	[sflag:s0] =	ssyncadd.tile.s32 @!p0 $0x1;
	_ =	shalt  }
.Lfunc_end2:
_tile_overlayer_lowered:
.L_overlay_start_2:
0x161: {  	(tag) =	ssettag $0x2  }
0x162: {  	s0 =	rddreg [dreg:$0x0];
	s2 =	stileid.u32  }
0x163: {  	s1 =	rddreg [dreg:$0x1];
	p0 =	sne.s32 s2, $0x0  }
0x164: {  	s3 =	rddreg [dreg:$0x2];
	[bflag:$0x3] =	sbarrier.arrive $0xFFFF;
	s2 =	simm.s32 @!p0 $0x1C02  }
0x165: {  	[timem:s3], [sflag:s2] =	dma.local @!p0 [hbm:s0], s1  }
0x166: {  	s0 =	simm.s32 @!p0 $0x2  }
0x167: {  	_ =	swait.ge @!p0 [sflag:s0], s1  }
0x168: {  	s1 =	ssub.s32 @!p0 $0x0, s1;
	[sflag:s0] =	ssyncset.done @!p0 $0x0  }
0x169: {  	[sflag:s0] =	ssyncadd.s32 @!p0 s1  }
0x16a: {  	[bflag:$0x3] =	sbarrier.arrive $0xFFFF  }
0x16b: {  	_ =	shalt  }

// kernel: kernel.8.cloned.1.call-start
scs
__scs_entry_jumppad:
0x0: {  	(pc) =	sbr.rel $0x88, $3  }
0x1: {  	(tag) =	ssettag $0x0;
	lr =	simm.s32 $0x1  }
0x2: {  	[smem:$0x3F9A] =	sst lr;
	_ =	strace $0xD0000000  }
0x3: {  	_ = 	snop  }
0x4: {  	_ = 	snop  }
0x5: {  	_ = 	snop  }
0x6: {  	_ = 	snop  }
0x7: {  	_ = 	snop  }
__scs_overlays_trampoline_lowered:
0x8: {  	[smem:$0x3FA9] =	sst s0  }
0x9: {  	[smem:$0x3FAA] =	sst s1  }
0xa: {  	[smem:$0x3FAB] =	sst s2  }
0xb: {  	[smem:$0x3FAC] =	sst s3  }
0xc: {  	[smem:$0x3FAD] =	sst s4  }
0xd: {  	[smem:$0x3FAE] =	sst s5  }
0xe: {  	[smem:$0x3FAF] =	sst s6  }
0xf: {  	[smem:$0x3FB0] =	sst s7  }
0x10: {  	[smem:$0x3FB1] =	sst s8  }
0x11: {  	[smem:$0x3FB2] =	sst s9;
	s0 =	simm.s32 @!p0 $0x0  }
0x12: {  	s1 =	sld [smem:$0x3F98];
	s0 =	simm.s32 @p0 $0x1  }
0x13: {  	[smem:$0x3FB3] =	sst s0;
	s0 =	simm.s32 @!p1 $0x0  }
0x14: {  	s2 =	sld [smem:$0x3F97];
	s0 =	simm.s32 @p1 $0x1  }
0x15: {  	[smem:$0x3FB4] =	sst s0;
	s0 =	simm.s32 @!p2 $0x0  }
0x16: {  	s3 =	sld [smem:$0x3FDB];
	s0 =	simm.s32 @p2 $0x1  }
0x17: {  	s4 =	simm.s32 $0x1BF5;
	[smem:$0x3FB6] =	sst s0  }
0x18: {  	s0 =	sld [smem:$0x3F99];
	_ =	swait.ge [sflag:s4], $0x0  }
0x19: {  	s7 =	sld [smem:$0x3F9A]  }
0x1a: {  	s8 =	sadd.s32 $0xFFFFE003, lr  }
0x1b: {  	s9 =	sadd.s32 $0xFFFFFEF7, lr;
	s5 =	simm.s32 $0xFFFFFFFF;
	p2 =	slt.u32 s8, $0xFFFFF086  }
0x1c: {  	p1 =	slt.u32 s9, $0xF7A;
	s5 =	simm.s32 @!p2 $0x0  }
0x1d: {  	s5 =	simm.s32 @p1 $0x1;
	p0 =	seq.s32 s7, s2  }
0x1e: {  	s7 =	smul.u32 @!p0 $0xF7A, s2;
	p2 =	seq.s32 @!p0 s5, $0x0  }
0x1f: {  	s9 =	smul.u32 $0xF7A, s1;
	s8 =	simm.s32 @!p0 $0x1BF5;
	p2 =	por !p2, p0  }
0x20: {  	[sflag:s8] =	ssyncset.s32 @!p0 $0xFFFFF086;
	s6 =	sadd.s32 @!p0 s3, s7;
	s7 =	simm.s32 @!p0 $0x108  }
0x21: {  	s3 =	sadd.s32 s3, s9;
	s6 =	sadd.s32 @!p0 $0x88, s6;
	s7 =	simm.s32 @p2 $0x1082  }
0x22: {  	[simem:s7], [sflag:s8] =	dma.local @!p0 [hbm:s6], $0xF7A  }
0x23: {  	s9 =	sor.u32 $0xD0000000, s2;
	s6 =	simm.s32 $0x108;
	_ =	swait.ge @!p0 [sflag:s8], $0x0  }
0x24: {  	s3 =	sadd.s32 $0x88, s3;
	s6 =	simm.s32 @!p1 $0x1082;
	[sflag:s4] =	ssyncset.s32 $0xFFFFF086  }
0x25: {  	[simem:s6], [sflag:s4] =	dma.local [hbm:s3], $0xF7A  }
0x26: {  	[smem:$0x3F9A] =	sst s1;
	(tag) =	ssettag s2;
	_ =	strace s9  }
0x27: {  	s1 =	sld [smem:$0x3FAA]  }
0x28: {  	s2 =	sld [smem:$0x3FAB]  }
0x29: {  	s4 =	sld [smem:$0x3FAD]  }
0x2a: {  	p0 =	seq.s32 s5, $0x0;
	s5 =	sld [smem:$0x3FAE]  }
0x2b: {  	s6 =	sld [smem:$0x3FAF]  }
0x2c: {  	s7 =	sld [smem:$0x3FB0]  }
0x2d: {  	s3 =	simm.s32 $0x108;
	s8 =	sld [smem:$0x3FB1]  }
0x2e: {  	s3 =	simm.s32 @!p0 $0x1082;
	s9 =	sld [smem:$0x3FB2]  }
0x2f: {  	lr =	sadd.s32 s0, s3;
	s0 =	sld [smem:$0x3FA9]  }
0x30: {  	s3 =	sld [smem:$0x3FAC]  }
0x31: {  	[smem:$0x3FB5] =	sst s10  }
0x32: {  	s10 =	sld [smem:$0x3FB3];
	_ =	sdelay $0x3  }
0x33: {  	p0 =	seq.s32 s10, $0x1;
	s10 =	sld [smem:$0x3FB5];
	_ =	sdelay $0x3  }
0x34: {  	[smem:$0x3FB5] =	sst s10  }
0x35: {  	s10 =	sld [smem:$0x3FB4];
	_ =	sdelay $0x3  }
0x36: {  	p1 =	seq.s32 s10, $0x1;
	s10 =	sld [smem:$0x3FB5];
	_ =	sdelay $0x3  }
0x37: {  	[smem:$0x3FB5] =	sst s10  }
0x38: {  	s10 =	sld [smem:$0x3FB6]  }
0x39: {  	_ = 	snop;
	(pc) =	sbr.ind lr, $3  }
0x3a: {  	_ = 	snop  }
0x3b: {  	_ = 	snop  }
0x3c: {  	p2 =	seq.s32 s10, $0x1;
	s10 =	sld [smem:$0x3FB5]  }
0x3d: {  	_ =	shalt  }
0x3e: {  	_ =	shalt  }
0x3f: {  	_ =	shalt  }
0x40: {  	_ =	shalt  }
0x41: {  	_ =	shalt  }
0x42: {  	_ =	shalt  }
0x43: {  	_ =	shalt  }
0x44: {  	_ =	shalt  }
0x45: {  	_ =	shalt  }
0x46: {  	_ =	shalt  }
0x47: {  	_ =	shalt  }
0x48: {  	_ =	shalt  }
0x49: {  	_ =	shalt  }
0x4a: {  	_ =	shalt  }
0x4b: {  	_ =	shalt  }
0x4c: {  	_ =	shalt  }
0x4d: {  	_ =	shalt  }
0x4e: {  	_ =	shalt  }
0x4f: {  	_ =	shalt  }
0x50: {  	_ =	shalt  }
0x51: {  	_ =	shalt  }
0x52: {  	_ =	shalt  }
0x53: {  	_ =	shalt  }
0x54: {  	_ =	shalt  }
0x55: {  	_ =	shalt  }
0x56: {  	_ =	shalt  }
0x57: {  	_ =	shalt  }
0x58: {  	_ =	shalt  }
0x59: {  	_ =	shalt  }
0x5a: {  	_ =	shalt  }
0x5b: {  	_ =	shalt  }
0x5c: {  	_ =	shalt  }
0x5d: {  	_ =	shalt  }
0x5e: {  	_ =	shalt  }
0x5f: {  	_ =	shalt  }
0x60: {  	_ =	shalt  }
0x61: {  	_ =	shalt  }
0x62: {  	_ =	shalt  }
0x63: {  	_ =	shalt  }
0x64: {  	_ =	shalt  }
0x65: {  	_ =	shalt  }
0x66: {  	_ =	shalt  }
0x67: {  	_ =	shalt  }
0x68: {  	_ =	shalt  }
0x69: {  	_ =	shalt  }
0x6a: {  	_ =	shalt  }
0x6b: {  	_ =	shalt  }
0x6c: {  	_ =	shalt  }
0x6d: {  	_ =	shalt  }
0x6e: {  	_ =	shalt  }
0x6f: {  	_ =	shalt  }
0x70: {  	_ =	shalt  }
0x71: {  	_ =	shalt  }
0x72: {  	_ =	shalt  }
0x73: {  	_ =	shalt  }
0x74: {  	_ =	shalt  }
0x75: {  	_ =	shalt  }
0x76: {  	_ =	shalt  }
0x77: {  	_ =	shalt  }
0x78: {  	_ =	shalt  }
0x79: {  	_ =	shalt  }
0x7a: {  	_ =	shalt  }
0x7b: {  	_ =	shalt  }
0x7c: {  	_ =	shalt  }
0x7d: {  	_ =	shalt  }
0x7e: {  	_ =	shalt  }
0x7f: {  	_ =	shalt  }
0x80: {  	_ =	shalt  }
0x81: {  	_ =	shalt  }
0x82: {  	_ =	shalt  }
0x83: {  	_ =	shalt  }
0x84: {  	_ =	shalt  }
0x85: {  	_ =	shalt  }
0x86: {  	_ =	shalt  }
0x87: {  	_ =	shalt  }
.Lfunc_end0:
.L_simem_size_0:
called_computation_lowered:
.L_overlay_start_0:
0x88: {  	s2 =	sld [smem:$0x3FD9]  }
0x89: {  	s3 =	sld [smem:$0x3FFE];
	_ =	sdelay $0x1  }
0x8a: {  	s1 =	srdreg.scid  }
0x8b: {  	s0 =	sand.u32 $0x1, s1  }
0x8c: {  	s17 =	sshll.u32 s0, $0xA;
	s2 =	sadd.s32 s3, s2  }
0x8d: {  	s2 =	sadd.s32 s2, s17  }
0x8e: {  	[smem:$0x3FC1] =	sst s2  }
0x8f: {  	_ = 	snop  }
0x90: {  	s2 =	sld [smem:$0x3FC9]  }
0x91: {  	s18 =	sld [smem:$0x3FD0];
	(tm) =	ssettm $0x1  }
0x92: {  	s4 =	sld [smem:$0x3FFB];
	_ =	sdelay $0x3  }
0x93: {  	_ =	strace s4  }
0x94: {  	s4 =	sld [smem:$0x3FFC];
	_ =	sdelay $0x3  }
0x95: {  	_ =	strace s4  }
0x96: {  	s4 =	sld [smem:$0x3FFD];
	_ =	sdelay $0x3  }
0x97: {  	_ =	strace s4  }
0x98: {  	_ =	strace $0x8FFFFFFF  }
0x99: {  	s19 =	sld [smem:$0x3FDB];
	_ =	sdelay $0x1  }
0x9a: {  	s5 =	simm.s32 $_scs_section_size  }
0x9b: {  	s6 =	simm.s32 $_size__tile_overlayer_lowered;
	s7 =	simm.s32 $_tile_overlayer_lowered  }
0x9c: {  	s22 =	simm.s32 $0x1BFF;
	s21 =	sshll.u32 s7, $0x1;
	s4 =	sadd.s32 s5, s19  }
0x9d: {  	s8 =	simm.s32 $0x0;
	s20 =	sshll.u32 s6, $0x1;
	s6 =	sadd.s32 s21, s4  }
0x9e: {  	[timem:s8], [sflag:s22] =	dma.local [hbm:s6], s20  }
0x9f: {  	_ =	swait.ge [sflag:s22], s20  }
0xa0: {  	s5 =	ssub.s32 $0x0, s20;
	[sflag:s22] =	ssyncset.done $0x0  }
0xa1: {  	[sflag:s22] =	ssyncadd.s32 s5;
	_ =	sdelay $0x1  }
0xa2: {  	s23 =	simm.s32 $0x1B8B  }
0xa3: {  	_ =	swait.ge [sflag:s23], $0x1  }
0xa4: {  	[sflag:s23] =	ssyncset.done $0x0  }
0xa5: {  	s25 =	simm.s32 $0x1B8E;
	s24 =	sld [smem:$0x3FFE];
	[sflag:s23] =	ssyncadd.s32 $0xFFFFFFFF  }
0xa6: {  	s26 =	simm.s32 $execute0_lowered;
	[smem:$0x3FD2] =	sst s25  }
0xa7: {  	s6 =	sshll.u32 s26, $0x1;
	_ =	strace $0x80000046;
	[dreg:$0x1] =	wrdreg $0xFFFFFFFF  }
0xa8: {  	s28 =	simm.s32 $_size_execute0_lowered;
	s4 =	sadd.s32 s4, s6;
	[dreg:$0x0] =	wrdreg $0x0  }
0xa9: {  	s6 =	sshll.u32 s28, $0x1;
	[dreg:$0x2] =	wrdreg s4  }
0xaa: {  	[dreg:$0x3] =	wrdreg s6  }
0xab: {  	[dreg:$0x4] =	wrdreg $0xC0  }
0xac: {  	_ =	task [dreg:s8], $0x5FFFF  }
0xad: {  	[dreg:$0x1] =	wrdreg $0xFFFFFFFF  }
0xae: {  	[dreg:$0x0] =	wrdreg $0x60  }
0xaf: {  	[dreg:$0x2] =	wrdreg s2  }
0xb0: {  	[dreg:$0x3] =	wrdreg s24  }
0xb1: {  	[dreg:$0x4] =	wrdreg s18  }
0xb2: {  	[dreg:$0x5] =	wrdreg $0x9  }
0xb3: {  	_ =	task.clear_ibuf [dreg:s8], $0x6FFFF;
	_ =	strace $0x90000046  }
0xb4: {  	s29 =	simm.s32 $0x9;
	_ =	strace $0x80000048  }
0xb5: {  	_ =	swait.ge [sflag:s29], $0x1  }
0xb6: {  	[sflag:s29] =	ssyncadd.s32 $0xFFFFFFFF  }
0xb7: {  	_ =	strace $0x90000048  }
0xb8: {  	_ =	sfence  }
0xb9: {  	s30 =	sld [smem:$0x0];
	_ =	sdelay $0x2  }
0xba: {  	s31 =	sshll.u32 s1, $0xD;
	s1 =	sshrl.u32 s1, $0x2  }
0xbb: {  	s3 =	sand.u32 $0x4000, s31;
	s1 =	sadd.s32 s1, s30  }
0xbc: {  	s0 =	sor.u32 s3, s0;
	s1 =	sshll.u32 s1, $0x11  }
0xbd: {  	s0 =	sor.u32 s1, s0  }
0xbe: {  	s0 =	sadd.s32 $0x8F2B, s0  }
0xbf: {  	[sflag:s0] =	ssyncadd.remote.s32 $0x1  }
0xc0: {  	_ =	sfence.sel $0xFFFF  }
0xc1: {  	[dreg:$0x0] =	wrdreg $0xFFFFFFFF;
	(pc) =	sbr.abs _section_cstart, $3  }
0xc2: {  	[dreg:$0x1] =	wrdreg $0xFFFFFFFF  }
0xc3: {  	_ =	task.clear_ibuf [dreg:s8], $0x2FFFF;
	_ =	strace $0x9FFFFFFF  }
0xc4: {  	(tm) =	ssettm $0x7FFFFFFF  }
0xc5: {  	_ =	shalt  }
tec
execute0_lowered:
.L_overlay_start_1:
0x0: {  	(tag) =	ssettag $0x1  }
0x1: {  	s1 =	rddreg [dreg:$0x0]  }
0x2: {  	s0 =	srdreg.scid;
	s5 =	rddreg [dreg:$0x1]  }
0x3: {  	s2 =	stileid.u32;
	s4 =	rddreg [dreg:$0x2]  }
0x4: {  	s26 =	simm.s32 $0x80;
	s8 =	simm.s32 $0x2;
	s11 =	simm.s32 $0x1900  }
0x5: {  	s12 =	simm.s32 $0x2100;
	s13 =	simm.s32 $0x2900;
	s14 =	simm.s32 $0x3100  }
0x6: {  	s15 =	simm.s32 $0x3900;
	s16 =	simm.s32 $0x4100;
	s17 =	simm.s32 $0x4900  }
0x7: {  	s18 =	simm.s32 $0x5100;
	s19 =	simm.s32 $0x5900;
	s20 =	simm.s32 $0x6100  }
0x8: {  	s21 =	simm.s32 $0x6900;
	s22 =	simm.s32 $0x7100;
	s28 =	simm.s32 $0x9900  }
0x9: {  	s29 =	simm.s32 $0xA100;
	s30 =	simm.s32 $0xA900;
	s0 =	sand.u32 $0x1, s0  }
0xa: {  	s31 =	simm.s32 $0xB100;
	s2 =	sshll.u32 s2, $0x5;
	s3 =	sshll.u32 s0, $0x4  }
0xb: {  	s0 =	ssub.s32 $0x2, s0;
	s6 =	sor.u32 s3, s2;
	s2 =	simm.s32 $0x0  }
0xc: {  	s3 =	sadd.s32 $0x200, s5;
	s24 =	sshrl.u32 s0, $0x1;
	s7 =	smul.u32 $0x300, s6  }
0xd: {  	[smem:$0x7FF] =	sst s2;
	s23 =	sadd.s32 s5, s6;
	s25 =	sadd.s32 s4, s6  }
0xe: {  	s0 =	ssub.s32 s0, s24;
	_ =	strace $0x80000047;
	[dreg:$0x5] =	wrdreg s23  }
0xf: {  	s4 =	sadd.s32 $0x300, s5;
	s5 =	sadd.s32 $0x400, s5;
	[dreg:$0x6] =	wrdreg s25  }
0x10: {  	v2 =	vlaneseq.u32;
	s24 =	simm.s32 $0x8100;
	s6 =	smax.u32 s0, $0x1;
	[dreg:$0x7] =	wrdreg s26  }
0x11: {  	vm0 =	vmmov $0xffff;
	v1 =	vshrl.u32 v2, $0x3;
	s23 =	simm.s32 $0x7900;
	s25 =	simm.s32 $0x8900;
	s1 =	sadd.s32 s1, s7  }
0x12: {  	v0 =	vand.u32 $0x7, v2;
	v2 =	vor.u32 $0x8, v2;
	v1 =	vmul.u32 $0x8, v1;
	s26 =	simm.s32 $0x9100;
	[dreg:$0x4] =	wrdreg s1;
	s1 =	simm.s32 $0x1  }
.LBB2_1:
0x13: {  	s9 =	rddreg [dreg:$0x4];
	s0 =	simm.s32 $0x100  }
0x14: {  	[tilespmem:s0], [sflag:$0x2] =	stream.linear.gather [hbm4b:s9+s2], $0x18000, $0x38;
	[tilespmem:$0x18100] =	vst v63  }
0x15: {  	_ =	swait.ge [sflag:s8], $0x18000  }
0x16: {  	[sflag:s8] =	ssyncset.done $0x0  }
0x17: {  	s10 =	rddreg [dreg:$0x5];
	[sflag:s8] =	ssyncadd.s32 $0xFFFE8000  }
0x18: {  	[tilespmem:s2], [sflag:$0x2] =	stream.linear.gather [hbm4b:s10+s2], $0x80, $0x38;
	[tilespmem:$0x18100] =	vst v63  }
0x19: {  	_ =	swait.ge [sflag:s8], $0x80  }
0x1a: {  	s7 =	rddreg [dreg:$0x6];
	[sflag:s8] =	ssyncset.done $0x0  }
0x1b: {  	s10 =	rddreg [dreg:$0x7];
	[sflag:s8] =	ssyncadd.s32 $0xFFFFFF80  }
0x1c: {  	[tilespmem:s10], [sflag:$0x2] =	stream.linear.gather [hbm4b:s7+s2], $0x80, $0x38;
	[tilespmem:$0x18100] =	vst v63  }
0x1d: {  	_ =	swait.ge [sflag:s8], $0x80  }
0x1e: {  	[sflag:s8] =	ssyncset.done $0x0  }
0x1f: {  	[sflag:s8] =	ssyncadd.s32 $0xFFFFFF80  }
0x20: {  	v3 =	vld [tilespmem:$0x0];
	_ =	sdelay $0x4  }
0x21: {  	v4 =	vshrl.u32 v3, $0x3  }
0x22: {  	v4 =	vmul.u32 $0x30, v4  }
0x23: {  	v3 =	vand.u32 $0x7, v3  }
0x24: {  	v3 =	vor.u32 v3, v4  }
0x25: {  	v4 =	vperm.xlane v3, v0;
	_ =	sdelay $0x1  }
0x26: {  	v4 =	vadd.s32 v1, v4;
	_ =	sdelay $0x3  }
0x27: {  	v3 =	vperm.xlane v3, v2  }
0x28: {  	[hbm4b:s3+s2] =	stream.indirect_vreg.scatter [tilespmem:s0], [sflag:$0x1], $0x80, v4, vm0, $0xb8;
	[tilespmem:$0x18100] =	vst v63  }
0x29: {  	s9 =	simm.s32 $0x900;
	v3 =	vadd.s32 v1, v3  }
0x2a: {  	[hbm4b:s4+s2] =	stream.indirect_vreg.scatter [tilespmem:s9], [sflag:$0x1], $0x80, v4, vm0, $0xb8;
	[tilespmem:$0x18100] =	vst v63  }
0x2b: {  	s10 =	simm.s32 $0x1100  }
0x2c: {  	[hbm4b:s5+s2] =	stream.indirect_vreg.scatter [tilespmem:s10], [sflag:$0x1], $0x80, v4, vm0, $0xb8;
	[tilespmem:$0x18100] =	vst v63  }
0x2d: {  	_ = 	snop  }
0x2e: {  	[hbm4b:s3+s2] =	stream.indirect_vreg.scatter [tilespmem:s11], [sflag:$0x1], $0x80, v3, vm0, $0xb8;
	[tilespmem:$0x18100] =	vst v63  }
0x2f: {  	_ = 	snop  }
0x30: {  	[hbm4b:s4+s2] =	stream.indirect_vreg.scatter [tilespmem:s12], [sflag:$0x1], $0x80, v3, vm0, $0xb8;
	[tilespmem:$0x18100] =	vst v63  }
0x31: {  	_ = 	snop  }
0x32: {  	[hbm4b:s5+s2] =	stream.indirect_vreg.scatter [tilespmem:s13], [sflag:$0x1], $0x80, v3, vm0, $0xb8;
	[tilespmem:$0x18100] =	vst v63  }
0x33: {  	v3 =	vld [tilespmem:$0x10];
	_ =	sdelay $0x4  }
0x34: {  	v49 =	vshrl.u32 v3, $0x3  }
0x35: {  	v4 =	vmul.u32 $0x30, v49  }
0x36: {  	v3 =	vand.u32 $0x7, v3  }
0x37: {  	v3 =	vor.u32 v3, v4  }
0x38: {  	v4 =	vperm.xlane v3, v0;
	_ =	sdelay $0x1  }
0x39: {  	v4 =	vadd.s32 v1, v4;
	_ =	sdelay $0x3  }
0x3a: {  	v3 =	vperm.xlane v3, v2  }
0x3b: {  	[hbm4b:s3+s2] =	stream.indirect_vreg.scatter [tilespmem:s14], [sflag:$0x1], $0x80, v4, vm0, $0xb8;
	[tilespmem:$0x18100] =	vst v63  }
0x3c: {  	v3 =	vadd.s32 v1, v3  }
0x3d: {  	[hbm4b:s4+s2] =	stream.indirect_vreg.scatter [tilespmem:s15], [sflag:$0x1], $0x80, v4, vm0, $0xb8;
	[tilespmem:$0x18100] =	vst v63  }
0x3e: {  	_ = 	snop  }
0x3f: {  	[hbm4b:s5+s2] =	stream.indirect_vreg.scatter [tilespmem:s16], [sflag:$0x1], $0x80, v4, vm0, $0xb8;
	[tilespmem:$0x18100] =	vst v63  }
0x40: {  	_ = 	snop  }
0x41: {  	[hbm4b:s3+s2] =	stream.indirect_vreg.scatter [tilespmem:s17], [sflag:$0x1], $0x80, v3, vm0, $0xb8;
	[tilespmem:$0x18100] =	vst v63  }
0x42: {  	_ = 	snop  }
0x43: {  	[hbm4b:s4+s2] =	stream.indirect_vreg.scatter [tilespmem:s18], [sflag:$0x1], $0x80, v3, vm0, $0xb8;
	[tilespmem:$0x18100] =	vst v63  }
0x44: {  	_ = 	snop  }
0x45: {  	[hbm4b:s5+s2] =	stream.indirect_vreg.scatter [tilespmem:s19], [sflag:$0x1], $0x80, v3, vm0, $0xb8;
	[tilespmem:$0x18100] =	vst v63  }
0x46: {  	v3 =	vld [tilespmem:$0x20];
	_ =	sdelay $0x4  }
0x47: {  	v50 =	vshrl.u32 v3, $0x3  }
0x48: {  	v4 =	vmul.u32 $0x30, v50  }
0x49: {  	v3 =	vand.u32 $0x7, v3  }
0x4a: {  	v3 =	vor.u32 v3, v4  }
0x4b: {  	v4 =	vperm.xlane v3, v0;
	_ =	sdelay $0x1  }
0x4c: {  	v4 =	vadd.s32 v1, v4;
	_ =	sdelay $0x3  }
0x4d: {  	v3 =	vperm.xlane v3, v2  }
0x4e: {  	[hbm4b:s3+s2] =	stream.indirect_vreg.scatter [tilespmem:s20], [sflag:$0x1], $0x80, v4, vm0, $0xb8;
	[tilespmem:$0x18100] =	vst v63  }
0x4f: {  	v3 =	vadd.s32 v1, v3  }
0x50: {  	[hbm4b:s4+s2] =	stream.indirect_vreg.scatter [tilespmem:s21], [sflag:$0x1], $0x80, v4, vm0, $0xb8;
	[tilespmem:$0x18100] =	vst v63  }
0x51: {  	_ = 	snop  }
0x52: {  	[hbm4b:s5+s2] =	stream.indirect_vreg.scatter [tilespmem:s22], [sflag:$0x1], $0x80, v4, vm0, $0xb8;
	[tilespmem:$0x18100] =	vst v63  }
0x53: {  	_ = 	snop  }
0x54: {  	[hbm4b:s3+s2] =	stream.indirect_vreg.scatter [tilespmem:s23], [sflag:$0x1], $0x80, v3, vm0, $0xb8;
	[tilespmem:$0x18100] =	vst v63  }
0x55: {  	_ = 	snop  }
0x56: {  	[hbm4b:s4+s2] =	stream.indirect_vreg.scatter [tilespmem:s24], [sflag:$0x1], $0x80, v3, vm0, $0xb8;
	[tilespmem:$0x18100] =	vst v63  }
0x57: {  	_ = 	snop  }
0x58: {  	[hbm4b:s5+s2] =	stream.indirect_vreg.scatter [tilespmem:s25], [sflag:$0x1], $0x80, v3, vm0, $0xb8;
	[tilespmem:$0x18100] =	vst v63  }
0x59: {  	v3 =	vld [tilespmem:$0x30];
	_ =	sdelay $0x4  }
0x5a: {  	v51 =	vshrl.u32 v3, $0x3  }
0x5b: {  	v4 =	vmul.u32 $0x30, v51  }
0x5c: {  	v3 =	vand.u32 $0x7, v3  }
0x5d: {  	v3 =	vor.u32 v3, v4  }
0x5e: {  	v4 =	vperm.xlane v3, v0;
	_ =	sdelay $0x1  }
0x5f: {  	v4 =	vadd.s32 v1, v4;
	_ =	sdelay $0x3  }
0x60: {  	v3 =	vperm.xlane v3, v2  }
0x61: {  	[hbm4b:s3+s2] =	stream.indirect_vreg.scatter [tilespmem:s26], [sflag:$0x1], $0x80, v4, vm0, $0xb8;
	[tilespmem:$0x18100] =	vst v63  }
0x62: {  	v3 =	vadd.s32 v1, v3  }
0x63: {  	[hbm4b:s4+s2] =	stream.indirect_vreg.scatter [tilespmem:s28], [sflag:$0x1], $0x80, v4, vm0, $0xb8;
	[tilespmem:$0x18100] =	vst v63  }
0x64: {  	_ = 	snop  }
0x65: {  	[hbm4b:s5+s2] =	stream.indirect_vreg.scatter [tilespmem:s29], [sflag:$0x1], $0x80, v4, vm0, $0xb8;
	[tilespmem:$0x18100] =	vst v63  }
0x66: {  	_ = 	snop  }
0x67: {  	[hbm4b:s3+s2] =	stream.indirect_vreg.scatter [tilespmem:s30], [sflag:$0x1], $0x80, v3, vm0, $0xb8;
	[tilespmem:$0x18100] =	vst v63  }
0x68: {  	_ = 	snop  }
0x69: {  	[hbm4b:s4+s2] =	stream.indirect_vreg.scatter [tilespmem:s31], [sflag:$0x1], $0x80, v3, vm0, $0xb8;
	[tilespmem:$0x18100] =	vst v63  }
0x6a: {  	s7 =	simm.s32 $0xB900  }
0x6b: {  	[hbm4b:s5+s2] =	stream.indirect_vreg.scatter [tilespmem:s7], [sflag:$0x1], $0x80, v3, vm0, $0xb8;
	[tilespmem:$0x18100] =	vst v63  }
0x6c: {  	v3 =	vld [tilespmem:$0x40];
	_ =	sdelay $0x4  }
0x6d: {  	v52 =	vshrl.u32 v3, $0x3  }
0x6e: {  	v4 =	vmul.u32 $0x30, v52  }
0x6f: {  	v3 =	vand.u32 $0x7, v3  }
0x70: {  	v3 =	vor.u32 v3, v4  }
0x71: {  	v4 =	vperm.xlane v3, v0;
	_ =	sdelay $0x1  }
0x72: {  	v4 =	vadd.s32 v1, v4;
	_ =	sdelay $0x3  }
0x73: {  	s7 =	simm.s32 $0xC100;
	v3 =	vperm.xlane v3, v2  }
0x74: {  	[hbm4b:s3+s2] =	stream.indirect_vreg.scatter [tilespmem:s7], [sflag:$0x1], $0x80, v4, vm0, $0xb8;
	[tilespmem:$0x18100] =	vst v63  }
0x75: {  	v3 =	vadd.s32 v1, v3;
	s7 =	simm.s32 $0xC900  }
0x76: {  	[hbm4b:s4+s2] =	stream.indirect_vreg.scatter [tilespmem:s7], [sflag:$0x1], $0x80, v4, vm0, $0xb8;
	[tilespmem:$0x18100] =	vst v63  }
0x77: {  	s7 =	simm.s32 $0xD100  }
0x78: {  	[hbm4b:s5+s2] =	stream.indirect_vreg.scatter [tilespmem:s7], [sflag:$0x1], $0x80, v4, vm0, $0xb8;
	[tilespmem:$0x18100] =	vst v63  }
0x79: {  	s7 =	simm.s32 $0xD900  }
0x7a: {  	[hbm4b:s3+s2] =	stream.indirect_vreg.scatter [tilespmem:s7], [sflag:$0x1], $0x80, v3, vm0, $0xb8;
	[tilespmem:$0x18100] =	vst v63  }
0x7b: {  	s7 =	simm.s32 $0xE100  }
0x7c: {  	[hbm4b:s4+s2] =	stream.indirect_vreg.scatter [tilespmem:s7], [sflag:$0x1], $0x80, v3, vm0, $0xb8;
	[tilespmem:$0x18100] =	vst v63  }
0x7d: {  	s7 =	simm.s32 $0xE900  }
0x7e: {  	[hbm4b:s5+s2] =	stream.indirect_vreg.scatter [tilespmem:s7], [sflag:$0x1], $0x80, v3, vm0, $0xb8;
	[tilespmem:$0x18100] =	vst v63  }
0x7f: {  	v3 =	vld [tilespmem:$0x50];
	_ =	sdelay $0x4  }
0x80: {  	v53 =	vshrl.u32 v3, $0x3  }
0x81: {  	v4 =	vmul.u32 $0x30, v53  }
0x82: {  	v3 =	vand.u32 $0x7, v3  }
0x83: {  	v3 =	vor.u32 v3, v4  }
0x84: {  	v4 =	vperm.xlane v3, v0;
	_ =	sdelay $0x1  }
0x85: {  	v4 =	vadd.s32 v1, v4;
	_ =	sdelay $0x3  }
0x86: {  	s7 =	simm.s32 $0xF100;
	v3 =	vperm.xlane v3, v2  }
0x87: {  	[hbm4b:s3+s2] =	stream.indirect_vreg.scatter [tilespmem:s7], [sflag:$0x1], $0x80, v4, vm0, $0xb8;
	[tilespmem:$0x18100] =	vst v63  }
0x88: {  	v3 =	vadd.s32 v1, v3;
	s7 =	simm.s32 $0xF900  }
0x89: {  	[hbm4b:s4+s2] =	stream.indirect_vreg.scatter [tilespmem:s7], [sflag:$0x1], $0x80, v4, vm0, $0xb8;
	[tilespmem:$0x18100] =	vst v63  }
0x8a: {  	s7 =	simm.s32 $0x10100  }
0x8b: {  	[hbm4b:s5+s2] =	stream.indirect_vreg.scatter [tilespmem:s7], [sflag:$0x1], $0x80, v4, vm0, $0xb8;
	[tilespmem:$0x18100] =	vst v63  }
0x8c: {  	s7 =	simm.s32 $0x10900  }
0x8d: {  	[hbm4b:s3+s2] =	stream.indirect_vreg.scatter [tilespmem:s7], [sflag:$0x1], $0x80, v3, vm0, $0xb8;
	[tilespmem:$0x18100] =	vst v63  }
0x8e: {  	s7 =	simm.s32 $0x11100  }
0x8f: {  	[hbm4b:s4+s2] =	stream.indirect_vreg.scatter [tilespmem:s7], [sflag:$0x1], $0x80, v3, vm0, $0xb8;
	[tilespmem:$0x18100] =	vst v63  }
0x90: {  	s7 =	simm.s32 $0x11900  }
0x91: {  	[hbm4b:s5+s2] =	stream.indirect_vreg.scatter [tilespmem:s7], [sflag:$0x1], $0x80, v3, vm0, $0xb8;
	[tilespmem:$0x18100] =	vst v63  }
0x92: {  	v3 =	vld [tilespmem:$0x60];
	_ =	sdelay $0x4  }
0x93: {  	v54 =	vshrl.u32 v3, $0x3  }
0x94: {  	v4 =	vmul.u32 $0x30, v54  }
0x95: {  	v3 =	vand.u32 $0x7, v3  }
0x96: {  	v3 =	vor.u32 v3, v4  }
0x97: {  	v4 =	vperm.xlane v3, v0;
	_ =	sdelay $0x1  }
0x98: {  	v4 =	vadd.s32 v1, v4;
	_ =	sdelay $0x3  }
0x99: {  	s7 =	simm.s32 $0x12100;
	v3 =	vperm.xlane v3, v2  }
0x9a: {  	[hbm4b:s3+s2] =	stream.indirect_vreg.scatter [tilespmem:s7], [sflag:$0x1], $0x80, v4, vm0, $0xb8;
	[tilespmem:$0x18100] =	vst v63  }
0x9b: {  	v3 =	vadd.s32 v1, v3;
	s7 =	simm.s32 $0x12900  }
0x9c: {  	[hbm4b:s4+s2] =	stream.indirect_vreg.scatter [tilespmem:s7], [sflag:$0x1], $0x80, v4, vm0, $0xb8;
	[tilespmem:$0x18100] =	vst v63  }
0x9d: {  	s7 =	simm.s32 $0x13100  }
0x9e: {  	[hbm4b:s5+s2] =	stream.indirect_vreg.scatter [tilespmem:s7], [sflag:$0x1], $0x80, v4, vm0, $0xb8;
	[tilespmem:$0x18100] =	vst v63  }
0x9f: {  	s7 =	simm.s32 $0x13900  }
0xa0: {  	[hbm4b:s3+s2] =	stream.indirect_vreg.scatter [tilespmem:s7], [sflag:$0x1], $0x80, v3, vm0, $0xb8;
	[tilespmem:$0x18100] =	vst v63  }
0xa1: {  	s7 =	simm.s32 $0x14100  }
0xa2: {  	[hbm4b:s4+s2] =	stream.indirect_vreg.scatter [tilespmem:s7], [sflag:$0x1], $0x80, v3, vm0, $0xb8;
	[tilespmem:$0x18100] =	vst v63  }
0xa3: {  	s7 =	simm.s32 $0x14900  }
0xa4: {  	[hbm4b:s5+s2] =	stream.indirect_vreg.scatter [tilespmem:s7], [sflag:$0x1], $0x80, v3, vm0, $0xb8;
	[tilespmem:$0x18100] =	vst v63  }
0xa5: {  	v3 =	vld [tilespmem:$0x70];
	_ =	sdelay $0x4  }
0xa6: {  	v55 =	vshrl.u32 v3, $0x3  }
0xa7: {  	v4 =	vmul.u32 $0x30, v55  }
0xa8: {  	v3 =	vand.u32 $0x7, v3  }
0xa9: {  	v3 =	vor.u32 v3, v4  }
0xaa: {  	v4 =	vperm.xlane v3, v0;
	_ =	sdelay $0x1  }
0xab: {  	v4 =	vadd.s32 v1, v4;
	_ =	sdelay $0x3  }
0xac: {  	s7 =	simm.s32 $0x15100;
	v3 =	vperm.xlane v3, v2  }
0xad: {  	[hbm4b:s3+s2] =	stream.indirect_vreg.scatter [tilespmem:s7], [sflag:$0x1], $0x80, v4, vm0, $0xb8;
	[tilespmem:$0x18100] =	vst v63  }
0xae: {  	v3 =	vadd.s32 v1, v3;
	s7 =	simm.s32 $0x15900  }
0xaf: {  	[hbm4b:s4+s2] =	stream.indirect_vreg.scatter [tilespmem:s7], [sflag:$0x1], $0x80, v4, vm0, $0xb8;
	[tilespmem:$0x18100] =	vst v63  }
0xb0: {  	s7 =	simm.s32 $0x16100  }
0xb1: {  	[hbm4b:s5+s2] =	stream.indirect_vreg.scatter [tilespmem:s7], [sflag:$0x1], $0x80, v4, vm0, $0xb8;
	[tilespmem:$0x18100] =	vst v63  }
0xb2: {  	s7 =	simm.s32 $0x16900  }
0xb3: {  	[hbm4b:s3+s2] =	stream.indirect_vreg.scatter [tilespmem:s7], [sflag:$0x1], $0x80, v3, vm0, $0xb8;
	[tilespmem:$0x18100] =	vst v63  }
0xb4: {  	s7 =	simm.s32 $0x17100  }
0xb5: {  	[hbm4b:s4+s2] =	stream.indirect_vreg.scatter [tilespmem:s7], [sflag:$0x1], $0x80, v3, vm0, $0xb8;
	[tilespmem:$0x18100] =	vst v63  }
0xb6: {  	s7 =	simm.s32 $0x17900  }
0xb7: {  	[hbm4b:s5+s2] =	stream.indirect_vreg.scatter [tilespmem:s7], [sflag:$0x1], $0x80, v3, vm0, $0xb8;
	[tilespmem:$0x18100] =	vst v63  }
0xb8: {  	_ =	swait.ge [sflag:s1], $0x18000  }
0xb9: {  	[sflag:s1] =	ssyncset.done $0x0  }
0xba: {  	[sflag:s1] =	ssyncadd.s32 $0xFFFE8000  }
0xbb: {  	v3 =	vld [tilespmem:$0x80];
	_ =	sdelay $0x4  }
0xbc: {  	v56 =	vshrl.u32 v3, $0x3  }
0xbd: {  	v4 =	vmul.u32 $0x30, v56  }
0xbe: {  	v3 =	vand.u32 $0x7, v3  }
0xbf: {  	v3 =	vor.u32 v3, v4  }
0xc0: {  	v4 =	vperm.xlane v3, v0;
	_ =	sdelay $0x1  }
0xc1: {  	v4 =	vadd.s32 v1, v4;
	_ =	sdelay $0x3  }
0xc2: {  	v3 =	vperm.xlane v3, v2  }
0xc3: {  	[hbm4b:s3+s2] =	stream.indirect_vreg.scatter [tilespmem:s0], [sflag:$0x1], $0x80, v4, vm0, $0xb8;
	[tilespmem:$0x18100] =	vst v63  }
0xc4: {  	v3 =	vadd.s32 v1, v3  }
0xc5: {  	[hbm4b:s4+s2] =	stream.indirect_vreg.scatter [tilespmem:s9], [sflag:$0x1], $0x80, v4, vm0, $0xb8;
	[tilespmem:$0x18100] =	vst v63  }
0xc6: {  	_ = 	snop  }
0xc7: {  	[hbm4b:s5+s2] =	stream.indirect_vreg.scatter [tilespmem:s10], [sflag:$0x1], $0x80, v4, vm0, $0xb8;
	[tilespmem:$0x18100] =	vst v63  }
0xc8: {  	_ = 	snop  }
0xc9: {  	[hbm4b:s3+s2] =	stream.indirect_vreg.scatter [tilespmem:s11], [sflag:$0x1], $0x80, v3, vm0, $0xb8;
	[tilespmem:$0x18100] =	vst v63  }
0xca: {  	_ = 	snop  }
0xcb: {  	[hbm4b:s4+s2] =	stream.indirect_vreg.scatter [tilespmem:s12], [sflag:$0x1], $0x80, v3, vm0, $0xb8;
	[tilespmem:$0x18100] =	vst v63  }
0xcc: {  	_ = 	snop  }
0xcd: {  	[hbm4b:s5+s2] =	stream.indirect_vreg.scatter [tilespmem:s13], [sflag:$0x1], $0x80, v3, vm0, $0xb8;
	[tilespmem:$0x18100] =	vst v63  }
0xce: {  	v3 =	vld [tilespmem:$0x90];
	_ =	sdelay $0x4  }
0xcf: {  	v57 =	vshrl.u32 v3, $0x3  }
0xd0: {  	v4 =	vmul.u32 $0x30, v57  }
0xd1: {  	v3 =	vand.u32 $0x7, v3  }
0xd2: {  	v3 =	vor.u32 v3, v4  }
0xd3: {  	v4 =	vperm.xlane v3, v0;
	_ =	sdelay $0x1  }
0xd4: {  	v4 =	vadd.s32 v1, v4;
	_ =	sdelay $0x3  }
0xd5: {  	v3 =	vperm.xlane v3, v2  }
0xd6: {  	[hbm4b:s3+s2] =	stream.indirect_vreg.scatter [tilespmem:s14], [sflag:$0x1], $0x80, v4, vm0, $0xb8;
	[tilespmem:$0x18100] =	vst v63  }
0xd7: {  	v3 =	vadd.s32 v1, v3  }
0xd8: {  	[hbm4b:s4+s2] =	stream.indirect_vreg.scatter [tilespmem:s15], [sflag:$0x1], $0x80, v4, vm0, $0xb8;
	[tilespmem:$0x18100] =	vst v63  }
0xd9: {  	_ = 	snop  }
0xda: {  	[hbm4b:s5+s2] =	stream.indirect_vreg.scatter [tilespmem:s16], [sflag:$0x1], $0x80, v4, vm0, $0xb8;
	[tilespmem:$0x18100] =	vst v63  }
0xdb: {  	_ = 	snop  }
0xdc: {  	[hbm4b:s3+s2] =	stream.indirect_vreg.scatter [tilespmem:s17], [sflag:$0x1], $0x80, v3, vm0, $0xb8;
	[tilespmem:$0x18100] =	vst v63  }
0xdd: {  	_ = 	snop  }
0xde: {  	[hbm4b:s4+s2] =	stream.indirect_vreg.scatter [tilespmem:s18], [sflag:$0x1], $0x80, v3, vm0, $0xb8;
	[tilespmem:$0x18100] =	vst v63  }
0xdf: {  	_ = 	snop  }
0xe0: {  	[hbm4b:s5+s2] =	stream.indirect_vreg.scatter [tilespmem:s19], [sflag:$0x1], $0x80, v3, vm0, $0xb8;
	[tilespmem:$0x18100] =	vst v63  }
0xe1: {  	v3 =	vld [tilespmem:$0xA0];
	_ =	sdelay $0x4  }
0xe2: {  	v58 =	vshrl.u32 v3, $0x3  }
0xe3: {  	v4 =	vmul.u32 $0x30, v58  }
0xe4: {  	v3 =	vand.u32 $0x7, v3  }
0xe5: {  	v3 =	vor.u32 v3, v4  }
0xe6: {  	v4 =	vperm.xlane v3, v0;
	_ =	sdelay $0x1  }
0xe7: {  	v4 =	vadd.s32 v1, v4;
	_ =	sdelay $0x3  }
0xe8: {  	v3 =	vperm.xlane v3, v2  }
0xe9: {  	[hbm4b:s3+s2] =	stream.indirect_vreg.scatter [tilespmem:s20], [sflag:$0x1], $0x80, v4, vm0, $0xb8;
	[tilespmem:$0x18100] =	vst v63  }
0xea: {  	v3 =	vadd.s32 v1, v3  }
0xeb: {  	[hbm4b:s4+s2] =	stream.indirect_vreg.scatter [tilespmem:s21], [sflag:$0x1], $0x80, v4, vm0, $0xb8;
	[tilespmem:$0x18100] =	vst v63  }
0xec: {  	_ = 	snop  }
0xed: {  	[hbm4b:s5+s2] =	stream.indirect_vreg.scatter [tilespmem:s22], [sflag:$0x1], $0x80, v4, vm0, $0xb8;
	[tilespmem:$0x18100] =	vst v63  }
0xee: {  	_ = 	snop  }
0xef: {  	[hbm4b:s3+s2] =	stream.indirect_vreg.scatter [tilespmem:s23], [sflag:$0x1], $0x80, v3, vm0, $0xb8;
	[tilespmem:$0x18100] =	vst v63  }
0xf0: {  	_ = 	snop  }
0xf1: {  	[hbm4b:s4+s2] =	stream.indirect_vreg.scatter [tilespmem:s24], [sflag:$0x1], $0x80, v3, vm0, $0xb8;
	[tilespmem:$0x18100] =	vst v63  }
0xf2: {  	_ = 	snop  }
0xf3: {  	[hbm4b:s5+s2] =	stream.indirect_vreg.scatter [tilespmem:s25], [sflag:$0x1], $0x80, v3, vm0, $0xb8;
	[tilespmem:$0x18100] =	vst v63  }
0xf4: {  	v3 =	vld [tilespmem:$0xB0];
	_ =	sdelay $0x4  }
0xf5: {  	v59 =	vshrl.u32 v3, $0x3  }
0xf6: {  	v4 =	vmul.u32 $0x30, v59  }
0xf7: {  	v3 =	vand.u32 $0x7, v3  }
0xf8: {  	v3 =	vor.u32 v3, v4  }
0xf9: {  	v4 =	vperm.xlane v3, v0;
	_ =	sdelay $0x1  }
0xfa: {  	v4 =	vadd.s32 v1, v4;
	_ =	sdelay $0x3  }
0xfb: {  	v3 =	vperm.xlane v3, v2  }
0xfc: {  	[hbm4b:s3+s2] =	stream.indirect_vreg.scatter [tilespmem:s26], [sflag:$0x1], $0x80, v4, vm0, $0xb8;
	[tilespmem:$0x18100] =	vst v63  }
0xfd: {  	v3 =	vadd.s32 v1, v3  }
0xfe: {  	[hbm4b:s4+s2] =	stream.indirect_vreg.scatter [tilespmem:s28], [sflag:$0x1], $0x80, v4, vm0, $0xb8;
	[tilespmem:$0x18100] =	vst v63  }
0xff: {  	_ = 	snop  }
0x100: {  	[hbm4b:s5+s2] =	stream.indirect_vreg.scatter [tilespmem:s29], [sflag:$0x1], $0x80, v4, vm0, $0xb8;
	[tilespmem:$0x18100] =	vst v63  }
0x101: {  	_ = 	snop  }
0x102: {  	[hbm4b:s3+s2] =	stream.indirect_vreg.scatter [tilespmem:s30], [sflag:$0x1], $0x80, v3, vm0, $0xb8;
	[tilespmem:$0x18100] =	vst v63  }
0x103: {  	_ = 	snop  }
0x104: {  	[hbm4b:s4+s2] =	stream.indirect_vreg.scatter [tilespmem:s31], [sflag:$0x1], $0x80, v3, vm0, $0xb8;
	[tilespmem:$0x18100] =	vst v63  }
0x105: {  	s9 =	simm.s32 $0xB900  }
0x106: {  	[hbm4b:s5+s2] =	stream.indirect_vreg.scatter [tilespmem:s9], [sflag:$0x1], $0x80, v3, vm0, $0xb8;
	[tilespmem:$0x18100] =	vst v63  }
0x107: {  	v3 =	vld [tilespmem:$0xC0];
	_ =	sdelay $0x4  }
0x108: {  	v60 =	vshrl.u32 v3, $0x3  }
0x109: {  	v4 =	vmul.u32 $0x30, v60  }
0x10a: {  	v3 =	vand.u32 $0x7, v3  }
0x10b: {  	v3 =	vor.u32 v3, v4  }
0x10c: {  	v4 =	vperm.xlane v3, v0;
	_ =	sdelay $0x1  }
0x10d: {  	v4 =	vadd.s32 v1, v4;
	_ =	sdelay $0x3  }
0x10e: {  	s10 =	simm.s32 $0xC100;
	v3 =	vperm.xlane v3, v2  }
0x10f: {  	[hbm4b:s3+s2] =	stream.indirect_vreg.scatter [tilespmem:s10], [sflag:$0x1], $0x80, v4, vm0, $0xb8;
	[tilespmem:$0x18100] =	vst v63  }
0x110: {  	s9 =	simm.s32 $0xC900;
	v3 =	vadd.s32 v1, v3  }
0x111: {  	[hbm4b:s4+s2] =	stream.indirect_vreg.scatter [tilespmem:s9], [sflag:$0x1], $0x80, v4, vm0, $0xb8;
	[tilespmem:$0x18100] =	vst v63  }
0x112: {  	s10 =	simm.s32 $0xD100  }
0x113: {  	[hbm4b:s5+s2] =	stream.indirect_vreg.scatter [tilespmem:s10], [sflag:$0x1], $0x80, v4, vm0, $0xb8;
	[tilespmem:$0x18100] =	vst v63  }
0x114: {  	s9 =	simm.s32 $0xD900  }
0x115: {  	[hbm4b:s3+s2] =	stream.indirect_vreg.scatter [tilespmem:s9], [sflag:$0x1], $0x80, v3, vm0, $0xb8;
	[tilespmem:$0x18100] =	vst v63  }
0x116: {  	s10 =	simm.s32 $0xE100  }
0x117: {  	[hbm4b:s4+s2] =	stream.indirect_vreg.scatter [tilespmem:s10], [sflag:$0x1], $0x80, v3, vm0, $0xb8;
	[tilespmem:$0x18100] =	vst v63  }
0x118: {  	s9 =	simm.s32 $0xE900  }
0x119: {  	[hbm4b:s5+s2] =	stream.indirect_vreg.scatter [tilespmem:s9], [sflag:$0x1], $0x80, v3, vm0, $0xb8;
	[tilespmem:$0x18100] =	vst v63  }
0x11a: {  	v3 =	vld [tilespmem:$0xD0];
	_ =	sdelay $0x4  }
0x11b: {  	v61 =	vshrl.u32 v3, $0x3  }
0x11c: {  	v4 =	vmul.u32 $0x30, v61  }
0x11d: {  	v3 =	vand.u32 $0x7, v3  }
0x11e: {  	v3 =	vor.u32 v3, v4  }
0x11f: {  	v4 =	vperm.xlane v3, v0;
	_ =	sdelay $0x1  }
0x120: {  	v4 =	vadd.s32 v1, v4;
	_ =	sdelay $0x3  }
0x121: {  	s10 =	simm.s32 $0xF100;
	v3 =	vperm.xlane v3, v2  }
0x122: {  	[hbm4b:s3+s2] =	stream.indirect_vreg.scatter [tilespmem:s10], [sflag:$0x1], $0x80, v4, vm0, $0xb8;
	[tilespmem:$0x18100] =	vst v63  }
0x123: {  	s9 =	simm.s32 $0xF900;
	v3 =	vadd.s32 v1, v3  }
0x124: {  	[hbm4b:s4+s2] =	stream.indirect_vreg.scatter [tilespmem:s9], [sflag:$0x1], $0x80, v4, vm0, $0xb8;
	[tilespmem:$0x18100] =	vst v63  }
0x125: {  	s10 =	simm.s32 $0x10100  }
0x126: {  	[hbm4b:s5+s2] =	stream.indirect_vreg.scatter [tilespmem:s10], [sflag:$0x1], $0x80, v4, vm0, $0xb8;
	[tilespmem:$0x18100] =	vst v63  }
0x127: {  	s9 =	simm.s32 $0x10900  }
0x128: {  	[hbm4b:s3+s2] =	stream.indirect_vreg.scatter [tilespmem:s9], [sflag:$0x1], $0x80, v3, vm0, $0xb8;
	[tilespmem:$0x18100] =	vst v63  }
0x129: {  	s10 =	simm.s32 $0x11100  }
0x12a: {  	[hbm4b:s4+s2] =	stream.indirect_vreg.scatter [tilespmem:s10], [sflag:$0x1], $0x80, v3, vm0, $0xb8;
	[tilespmem:$0x18100] =	vst v63  }
0x12b: {  	s9 =	simm.s32 $0x11900  }
0x12c: {  	[hbm4b:s5+s2] =	stream.indirect_vreg.scatter [tilespmem:s9], [sflag:$0x1], $0x80, v3, vm0, $0xb8;
	[tilespmem:$0x18100] =	vst v63  }
0x12d: {  	v3 =	vld [tilespmem:$0xE0];
	_ =	sdelay $0x4  }
0x12e: {  	v62 =	vshrl.u32 v3, $0x3  }
0x12f: {  	v4 =	vmul.u32 $0x30, v62  }
0x130: {  	v3 =	vand.u32 $0x7, v3  }
0x131: {  	v3 =	vor.u32 v3, v4  }
0x132: {  	v4 =	vperm.xlane v3, v0;
	_ =	sdelay $0x1  }
0x133: {  	v4 =	vadd.s32 v1, v4;
	_ =	sdelay $0x3  }
0x134: {  	s10 =	simm.s32 $0x12100;
	v3 =	vperm.xlane v3, v2  }
0x135: {  	[hbm4b:s3+s2] =	stream.indirect_vreg.scatter [tilespmem:s10], [sflag:$0x1], $0x80, v4, vm0, $0xb8;
	[tilespmem:$0x18100] =	vst v63  }
0x136: {  	s9 =	simm.s32 $0x12900;
	v3 =	vadd.s32 v1, v3  }
0x137: {  	[hbm4b:s4+s2] =	stream.indirect_vreg.scatter [tilespmem:s9], [sflag:$0x1], $0x80, v4, vm0, $0xb8;
	[tilespmem:$0x18100] =	vst v63  }
0x138: {  	s10 =	simm.s32 $0x13100  }
0x139: {  	[hbm4b:s5+s2] =	stream.indirect_vreg.scatter [tilespmem:s10], [sflag:$0x1], $0x80, v4, vm0, $0xb8;
	[tilespmem:$0x18100] =	vst v63  }
0x13a: {  	s9 =	simm.s32 $0x13900  }
0x13b: {  	[hbm4b:s3+s2] =	stream.indirect_vreg.scatter [tilespmem:s9], [sflag:$0x1], $0x80, v3, vm0, $0xb8;
	[tilespmem:$0x18100] =	vst v63  }
0x13c: {  	s10 =	simm.s32 $0x14100  }
0x13d: {  	[hbm4b:s4+s2] =	stream.indirect_vreg.scatter [tilespmem:s10], [sflag:$0x1], $0x80, v3, vm0, $0xb8;
	[tilespmem:$0x18100] =	vst v63  }
0x13e: {  	s9 =	simm.s32 $0x14900  }
0x13f: {  	[hbm4b:s5+s2] =	stream.indirect_vreg.scatter [tilespmem:s9], [sflag:$0x1], $0x80, v3, vm0, $0xb8;
	[tilespmem:$0x18100] =	vst v63  }
0x140: {  	v3 =	vld [tilespmem:$0xF0];
	_ =	sdelay $0x4  }
0x141: {  	v63 =	vshrl.u32 v3, $0x3  }
0x142: {  	v4 =	vmul.u32 $0x30, v63  }
0x143: {  	v3 =	vand.u32 $0x7, v3  }
0x144: {  	v3 =	vor.u32 v3, v4  }
0x145: {  	v4 =	vperm.xlane v3, v0;
	_ =	sdelay $0x1  }
0x146: {  	v4 =	vadd.s32 v1, v4;
	_ =	sdelay $0x3  }
0x147: {  	s10 =	simm.s32 $0x15100;
	v3 =	vperm.xlane v3, v2  }
0x148: {  	[hbm4b:s3+s2] =	stream.indirect_vreg.scatter [tilespmem:s10], [sflag:$0x1], $0x80, v4, vm0, $0xb8;
	[tilespmem:$0x18100] =	vst v63  }
0x149: {  	s9 =	simm.s32 $0x15900;
	v3 =	vadd.s32 v1, v3  }
0x14a: {  	[hbm4b:s4+s2] =	stream.indirect_vreg.scatter [tilespmem:s9], [sflag:$0x1], $0x80, v4, vm0, $0xb8;
	[tilespmem:$0x18100] =	vst v63  }
0x14b: {  	s10 =	simm.s32 $0x16100  }
0x14c: {  	[hbm4b:s5+s2] =	stream.indirect_vreg.scatter [tilespmem:s10], [sflag:$0x1], $0x80, v4, vm0, $0xb8;
	[tilespmem:$0x18100] =	vst v63  }
0x14d: {  	s9 =	simm.s32 $0x16900  }
0x14e: {  	[hbm4b:s3+s2] =	stream.indirect_vreg.scatter [tilespmem:s9], [sflag:$0x1], $0x80, v3, vm0, $0xb8;
	[tilespmem:$0x18100] =	vst v63  }
0x14f: {  	p0 =	sne.s32 s6, $0x1;
	s10 =	simm.s32 $0x17100  }
0x150: {  	[hbm4b:s4+s2] =	stream.indirect_vreg.scatter [tilespmem:s10], [sflag:$0x1], $0x80, v3, vm0, $0xb8;
	[tilespmem:$0x18100] =	vst v63  }
.Ltmp0:
0x151: {  	s7 =	simm.s32 $0x17900;
	(pc) =	sbr.rel @p0 .LBB2_1-.Ltmp0, $4  }
0x152: {  	[hbm4b:s5+s2] =	stream.indirect_vreg.scatter [tilespmem:s7], [sflag:$0x1], $0x80, v3, vm0, $0xb8;
	[tilespmem:$0x18100] =	vst v63  }
0x153: {  	_ =	swait.ge [sflag:s1], $0x18000  }
0x154: {  	[sflag:s1] =	ssyncset.done $0x0  }
0x155: {  	s6 =	sadd.s32 $0xFFFFFFFF, s6;
	[sflag:s1] =	ssyncadd.s32 $0xFFFE8000  }
0x156: {  	_ =	sfence.sel $0x180000  }
0x157: {  	[bflag:$0x0] =	sbarrier.arrive $0xFFFF  }
0x158: {  	_ =	strace $0x90000047  }
0x159: {  	s0 =	stileid.u32;
	[bflag:$0x2] =	sbarrier.arrive $0xFFFF  }
0x15a: {  	p0 =	sne.s32 s0, $0x0;
	s0 =	rddreg [dreg:$0x3]  }
0x15b: {  	s0 =	sadd.s32 @!p0 $0x100000, s0  }
0x15c: {  	[sflag:s0] =	ssyncadd.tile.s32 @!p0 $0x1;
	_ =	shalt  }
.Lfunc_end2:
_tile_overlayer_lowered:
.L_overlay_start_2:
0x15d: {  	(tag) =	ssettag $0x2  }
0x15e: {  	s0 =	rddreg [dreg:$0x0];
	s2 =	stileid.u32  }
0x15f: {  	s1 =	rddreg [dreg:$0x1];
	p0 =	sne.s32 s2, $0x0  }
0x160: {  	s3 =	rddreg [dreg:$0x2];
	[bflag:$0x3] =	sbarrier.arrive $0xFFFF;
	s2 =	simm.s32 @!p0 $0x1C02  }
0x161: {  	[timem:s3], [sflag:s2] =	dma.local @!p0 [hbm:s0], s1  }
0x162: {  	s0 =	simm.s32 @!p0 $0x2  }
0x163: {  	_ =	swait.ge @!p0 [sflag:s0], s1  }
0x164: {  	s1 =	ssub.s32 @!p0 $0x0, s1;
	[sflag:s0] =	ssyncset.done @!p0 $0x0  }
0x165: {  	[sflag:s0] =	ssyncadd.s32 @!p0 s1  }
0x166: {  	[bflag:$0x3] =	sbarrier.arrive $0xFFFF  }
0x167: {  	_ =	shalt  }

</sc_bundles>
